<compile_context>
chip_gen: v7x
topology: tpu7x:2x2x1
jax: 0.10.2.dev20260603
libtpu: 0.0.44.dev20260713+nightly
codegen_flags: <defaults>
</compile_context>

<pallas_src>
import functools

import jax
import jax.numpy as jnp
from jax import lax
from jax.experimental import pallas as pl
from jax.experimental.pallas import tpu as pltpu
from jax.experimental.pallas import tpu_sc as plsc

_SYM = (0, 3, 5, 8)
_N = 1024
_L = 16
_QV = 8
_QB = _QV * _L
_RUNROLL = 2
_OFF = 16

_NSC = 4
_WPS = 32 // _NSC
_QCNT = _N // _WPS
_NBLK = _QCNT // _QB


def _splat(x):
    return jnp.full((_L,), x, dtype=jnp.int32)


def _sqrtv(m):
    m = jnp.maximum(m, 1e-12)
    i = plsc.bitcast(m, jnp.int32)
    i = jnp.full((_L,), 0x5F3759DF, dtype=jnp.int32) - lax.shift_right_logical(i, 1)
    y = plsc.bitcast(i, jnp.float32)
    half = m * 0.5
    for _ in range(3):
        y = y * (1.5 - half * y * y)
    return m * y


def _sc_body(t_hbm, m_hbm, h_hbm, osym_hbm, opair_hbm,
             tx_v, ty_v, tz_v, mx_v, my_v, mz_v, h_v, nt_v, o1_v, o2_v):
    c = lax.axis_index("c")
    s = lax.axis_index("s")
    w = c * 16 + s
    b = w // _WPS
    qstart = (w % _WPS) * _QCNT

    for j, (tv, mv) in enumerate(((tx_v, mx_v), (ty_v, my_v), (tz_v, mz_v))):
        pltpu.sync_copy(t_hbm.at[pl.ds((b * 3 + j) * _N, _N)], tv.at[pl.ds(_OFF, _N)])
        pltpu.sync_copy(m_hbm.at[pl.ds((b * 3 + j) * _N + qstart, _QCNT)], mv)
    pltpu.sync_copy(h_hbm.at[pl.ds(b * _L, _L)], h_v.at[pl.ds(_OFF, _L)])

    hv = [plsc.load_gather(h_v, [_splat(_OFF + k)]) for k in range(12)]

    def nt_body(i, carry):
        o = i * _L
        tx = tx_v[pl.ds(_OFF + o, _L)]
        ty = ty_v[pl.ds(_OFF + o, _L)]
        tz = tz_v[pl.ds(_OFF + o, _L)]
        nt_v[pl.ds(_OFF + o, _L)] = tx * tx + ty * ty + tz * tz
        return carry
    lax.fori_loop(0, _N // _L, nt_body, 0)

    inf16 = jnp.full((_L,), jnp.inf, dtype=jnp.float32)

    sym_acc = jnp.zeros((_L,), dtype=jnp.float32)
    pair_acc = jnp.zeros((_L,), dtype=jnp.float32)

    for blk in range(_NBLK):
        qoff = blk * _QB
        qx2, qy2, qz2, qn = [], [], [], []
        for k in range(_QV):
            off = qoff + k * _L
            mx = mx_v[pl.ds(off, _L)]
            my = my_v[pl.ds(off, _L)]
            mz = mz_v[pl.ds(off, _L)]
            px = hv[0] * mx + hv[1] * my + hv[2] * mz + hv[3]
            py = hv[4] * mx + hv[5] * my + hv[6] * mz + hv[7]
            pz = hv[8] * mx + hv[9] * my + hv[10] * mz + hv[11]
            goff = qstart + off
            tpx = tx_v[pl.ds(_OFF + goff, _L)]
            tpy = ty_v[pl.ds(_OFF + goff, _L)]
            tpz = tz_v[pl.ds(_OFF + goff, _L)]
            dpx = px - tpx
            dpy = py - tpy
            dpz = pz - tpz
            dp2 = dpx * dpx + dpy * dpy + dpz * dpz
            pair_acc = pair_acc + _sqrtv(dp2)
            qn.append(px * px + py * py + pz * pz)
            qx2.append(-2.0 * px)
            qy2.append(-2.0 * py)
            qz2.append(-2.0 * pz)

        def rbody(i, acc):
            acc = list(acc)
            for u in range(_RUNROLL):
                r = i * _RUNROLL + u
                idxv = _splat(_OFF + r)
                txb = plsc.load_gather(tx_v, [idxv])
                tyb = plsc.load_gather(ty_v, [idxv])
                tzb = plsc.load_gather(tz_v, [idxv])
                ntb = plsc.load_gather(nt_v, [idxv])
                for k in range(_QV):
                    d = ntb + qx2[k] * txb + qy2[k] * tyb + qz2[k] * tzb
                    acc[k] = jnp.minimum(acc[k], d)
            return tuple(acc)

        acc = lax.fori_loop(0, _N // _RUNROLL, rbody,
                            tuple(inf16 for _ in range(_QV)))
        for k in range(_QV):
            sym_acc = sym_acc + _sqrtv(acc[k] + qn[k])

    o1_v[...] = sym_acc
    o2_v[...] = pair_acc
    pltpu.sync_copy(o1_v, osym_hbm.at[pl.ds(w * _L, _L)])
    pltpu.sync_copy(o2_v, opair_hbm.at[pl.ds(w * _L, _L)])


_sc_call = functools.partial(
    pl.kernel,
    out_type=[
        jax.ShapeDtypeStruct((32 * _L,), jnp.float32),
        jax.ShapeDtypeStruct((32 * _L,), jnp.float32),
    ],
    mesh=plsc.VectorSubcoreMesh(core_axis_name="c", subcore_axis_name="s"),
    compiler_params=pltpu.CompilerParams(needs_layout_passes=False),
    cost_estimate=pl.CostEstimate(
        flops=_NSC * _N * _N * 10, transcendentals=0,
        bytes_accessed=_NSC * _N * 8 * 4),
    scratch_types=[
        pltpu.VMEM((_OFF + _N,), jnp.float32),
        pltpu.VMEM((_OFF + _N,), jnp.float32),
        pltpu.VMEM((_OFF + _N,), jnp.float32),
        pltpu.VMEM((_QCNT,), jnp.float32),
        pltpu.VMEM((_QCNT,), jnp.float32),
        pltpu.VMEM((_QCNT,), jnp.float32),
        pltpu.VMEM((_OFF + _L,), jnp.float32),
        pltpu.VMEM((_OFF + _N,), jnp.float32),
        pltpu.VMEM((_L,), jnp.float32),
        pltpu.VMEM((_L,), jnp.float32),
    ],
)(_sc_body)


def _tc_body(t_col_ref, m_row_ref, t_row_ref, h_ref, omin_ref, opair_ref):
    h = [[h_ref[0, r, cc] for cc in range(4)] for r in range(3)]

    mx_r = m_row_ref[0, 0:1, :]
    my_r = m_row_ref[0, 1:2, :]
    mz_r = m_row_ref[0, 2:3, :]
    tx_r = t_row_ref[0, 0:1, :]
    ty_r = t_row_ref[0, 1:2, :]
    tz_r = t_row_ref[0, 2:3, :]

    px = h[0][0] * mx_r + h[0][1] * my_r + h[0][2] * mz_r + h[0][3]
    py = h[1][0] * mx_r + h[1][1] * my_r + h[1][2] * mz_r + h[1][3]
    pz = h[2][0] * mx_r + h[2][1] * my_r + h[2][2] * mz_r + h[2][3]

    opair_ref[0] = jnp.sqrt((px - tx_r) ** 2 + (py - ty_r) ** 2 + (pz - tz_r) ** 2)

    macc = jnp.full((1, _N), jnp.inf, dtype=jnp.float32)
    for ci in range(_N // 256):
        txc = t_col_ref[0, ci * 256:(ci + 1) * 256, 0:1]
        tyc = t_col_ref[0, ci * 256:(ci + 1) * 256, 1:2]
        tzc = t_col_ref[0, ci * 256:(ci + 1) * 256, 2:3]
        d2 = (txc - px) ** 2 + (tyc - py) ** 2 + (tzc - pz) ** 2
        macc = jnp.minimum(macc, jnp.min(d2, axis=0, keepdims=True))
    omin_ref[0] = jnp.sqrt(macc)


def _tc_call(target, model_points, H):
    bs = target.shape[0]
    m_rows = model_points.transpose(0, 2, 1)
    t_rows = target.transpose(0, 2, 1)
    omin, opair = pl.pallas_call(
        _tc_body,
        grid=(bs,),
        cost_estimate=pl.CostEstimate(
            flops=bs * _N * _N * 9, transcendentals=bs * _N,
            bytes_accessed=bs * _N * 10 * 4),
        in_specs=[
            pl.BlockSpec((1, _N, 3), lambda b: (b, 0, 0)),
            pl.BlockSpec((1, 3, _N), lambda b: (b, 0, 0)),
            pl.BlockSpec((1, 3, _N), lambda b: (b, 0, 0)),
            pl.BlockSpec((1, 4, 4), lambda b: (b, 0, 0)),
        ],
        out_specs=[
            pl.BlockSpec((1, 1, _N), lambda b: (b, 0, 0)),
            pl.BlockSpec((1, 1, _N), lambda b: (b, 0, 0)),
        ],
        out_shape=[
            jax.ShapeDtypeStruct((bs, 1, _N), jnp.float32),
            jax.ShapeDtypeStruct((bs, 1, _N), jnp.float32),
        ],
    )(target, m_rows, t_rows, H)
    return omin.reshape(bs, _N), opair.reshape(bs, _N)


@jax.jit
def kernel(target, model_points, idx, H):
    bs, n, _ = target.shape

    t_rows_sc = target[:_NSC].transpose(0, 2, 1).reshape(-1)
    m_rows_sc = model_points[:_NSC].transpose(0, 2, 1).reshape(-1)
    h_flat_sc = H[:_NSC].reshape(-1)
    osym, opair_sc = _sc_call(t_rows_sc, m_rows_sc, h_flat_sc)
    sc_sym = osym.reshape(_NSC, _WPS * _L).sum(axis=1) / n
    sc_pair = opair_sc.reshape(_NSC, _WPS * _L).sum(axis=1) / n

    tc_min, tc_pair = _tc_call(target[_NSC:], model_points[_NSC:], H[_NSC:])
    tc_sym = tc_min.mean(axis=1)
    tc_pair = tc_pair.mean(axis=1)

    sym_d = jnp.concatenate([sc_sym, tc_sym])
    pair_d = jnp.concatenate([sc_pair, tc_pair])
    is_sym = jnp.isin(idx[:, 0], jnp.array(_SYM, dtype=jnp.int32))
    return jnp.where(is_sym, sym_d, pair_d)

# --- scband reference (transcript-rebuilt; emitter-appended) ---
"""Pipeline reference for scband-add-sloss-38946763440539 (READ-ONLY COPY).

The authoritative reference and input builder live on the scoring server;
editing this copy changes nothing except your own understanding.
"""

import jax, jax.numpy as jnp
import numpy as np

SYM_LIST = jnp.array([0, 3, 5, 8], dtype=jnp.int32)


def setup_inputs(seed: int = 0) -> dict:
    key = jax.random.key(seed)
    k1, k2, k3, k4 = jax.random.split(key, 4)
    target = jax.random.normal(k1, (16, 1024, 3), dtype=jnp.float32)
    model_points = jax.random.normal(k2, (16, 1024, 3), dtype=jnp.float32)
    idx = jax.random.randint(k3, (16, 1), 0, 13, dtype=jnp.int32)
    H = jax.random.normal(k4, (16, 4, 4), dtype=jnp.float32)
    return {"target": target, "model_points": model_points, "idx": idx, "H": H}


def reference(target, model_points, idx, H):
    # H path: base = R^T, pred_t = translation
    base = jnp.transpose(H[:, :3, :3], (0, 2, 1))  # [bs,3,3]
    pred_t = H[:, :3, 3][:, None, :]               # [bs,1,3]
    pred = jnp.matmul(model_points, base) + pred_t  # [bs,num_p,3]
    tf_model_points = pred.reshape(target.shape)

    # kNN (k=1, L2) of transformed model points (query) against target (ref),
    # then regather target by nearest-neighbor indices (ADD-S symmetric matching)
    def per_sample(t, p):
        diff = t[None, :, :] - p[:, None, :]        # [num_q, num_ref, 3]
        dist = jnp.linalg.norm(diff, axis=2)        # [num_q, num_ref]
        inds = jnp.argmin(dist, axis=1)             # topk(1, largest=False).indices
        return jnp.take(t, inds, axis=0)

    target_knn = jax.vmap(per_sample)(target, tf_model_points)

    # apply symmetric regathering only for object ids in sym_list
    is_sym = jnp.isin(idx[:, 0], SYM_LIST)          # [bs]
    target_final = jnp.where(is_sym[:, None, None], target_knn, target)

    dis = jnp.mean(jnp.linalg.norm(tf_model_points - target_final, axis=2), axis=1)
    return dis

if __name__ == "__main__":
    import jax
    _d = setup_inputs()
    print(jax.jit(kernel)(*tuple(_d.values())))

</pallas_src>

<mosaic_0001>
#map = affine_map<(d0, d1) -> (0)>
module attributes {stable_mosaic.version = 14 : i64} {
  func.func @_sc_body(%arg0: i32, %arg1: i32, %arg2: memref<12288xf32, #tpu.memory_space<hbm>>, %arg3: memref<12288xf32, #tpu.memory_space<hbm>>, %arg4: memref<64xf32, #tpu.memory_space<hbm>>, %arg5: memref<512xf32, #tpu.memory_space<hbm>>, %arg6: memref<512xf32, #tpu.memory_space<hbm>>, %arg7: memref<1040xf32, #tpu.memory_space<vmem>>, %arg8: memref<1040xf32, #tpu.memory_space<vmem>>, %arg9: memref<1040xf32, #tpu.memory_space<vmem>>, %arg10: memref<128xf32, #tpu.memory_space<vmem>>, %arg11: memref<128xf32, #tpu.memory_space<vmem>>, %arg12: memref<128xf32, #tpu.memory_space<vmem>>, %arg13: memref<32xf32, #tpu.memory_space<vmem>>, %arg14: memref<1040xf32, #tpu.memory_space<vmem>>, %arg15: memref<16xf32, #tpu.memory_space<vmem>>, %arg16: memref<16xf32, #tpu.memory_space<vmem>>) attributes {dimension_semantics = [#tpu.dimension_semantics<core_parallel>, #tpu.dimension_semantics<subcore_parallel>], iteration_bounds = array<i64: 2, 16>, scalar_prefetch = 0 : i64, scratch_operands = 10 : i64, tpu.core_type = #tpu.core_type<sc_vector_subcore>, window_params = [{transform_indices = #map}, {transform_indices = #map}, {transform_indices = #map}, {transform_indices = #map}, {transform_indices = #map}]} {
    %mul3A = arith.constant 16 : i32
    %mul3A_0 = arith.muli %arg0, %mul3A : i32
    %add3A = arith.addi %mul3A_0, %arg1 : i32
    %jit3A = arith.constant 8 : i32
    %div3A = arith.divsi %add3A, %jit3A : i32
    %sign3A = arith.constant 0 : i32
    %sign3A_1 = arith.cmpi sgt, %add3A, %sign3A : i32
    %sign3A_2 = arith.extui %sign3A_1 : i1 to i32
    %sign3A_3 = arith.constant 0 : i32
    %sign3A_4 = arith.cmpi slt, %add3A, %sign3A_3 : i32
    %sign3A_5 = arith.extui %sign3A_4 : i1 to i32
    %sign3A_6 = arith.subi %sign3A_2, %sign3A_5 : i32
    %sign3A_7 = arith.constant 0 : i32
    %sign3A_8 = arith.cmpi sgt, %jit3A, %sign3A_7 : i32
    %sign3A_9 = arith.extui %sign3A_8 : i1 to i32
    %sign3A_10 = arith.constant 0 : i32
    %sign3A_11 = arith.cmpi slt, %jit3A, %sign3A_10 : i32
    %sign3A_12 = arith.extui %sign3A_11 : i1 to i32
    %sign3A_13 = arith.subi %sign3A_9, %sign3A_12 : i32
    %ne3A = arith.cmpi ne, %sign3A_6, %sign3A_13 : i32
    %rem3A = arith.remsi %add3A, %jit3A : i32
    %ne3A_14 = arith.constant 0 : i32
    %ne3A_15 = arith.cmpi ne, %rem3A, %ne3A_14 : i32
    %and3A = arith.andi %ne3A, %ne3A_15 : i1
    %sub3A = arith.constant 1 : i32
    %sub3A_16 = arith.subi %div3A, %sub3A : i32
    %select_n3A = arith.select %and3A, %sub3A_16, %div3A : i32
    %jit3A_17 = arith.constant 8 : i32
    %eq3A = arith.constant 0 : i32
    %eq3A_18 = arith.cmpi eq, %jit3A_17, %eq3A : i32
    %jit3A_19 = arith.constant 1 : i32
    %select_n3A_20 = arith.select %eq3A_18, %jit3A_19, %jit3A_17 : i32
    %rem3A_21 = arith.remsi %add3A, %select_n3A_20 : i32
    %ne3A_22 = arith.constant 0 : i32
    %ne3A_23 = arith.cmpi ne, %rem3A_21, %ne3A_22 : i32
    %lt3A = arith.constant 0 : i32
    %lt3A_24 = arith.cmpi slt, %rem3A_21, %lt3A : i32
    %lt3A_25 = arith.constant 0 : i32
    %lt3A_26 = arith.cmpi slt, %select_n3A_20, %lt3A_25 : i32
    %ne3A_27 = arith.xori %lt3A_24, %lt3A_26 : i1
    %and3A_28 = arith.andi %ne3A_27, %ne3A_23 : i1
    %add3A_29 = arith.addi %rem3A_21, %select_n3A_20 : i32
    %select_n3A_30 = arith.select %and3A_28, %add3A_29, %rem3A_21 : i32
    %mul3A_31 = arith.constant 128 : i32
    %mul3A_32 = arith.muli %select_n3A_30, %mul3A_31 : i32
    %mul3A_33 = arith.constant 3 : i32
    %mul3A_34 = arith.muli %select_n3A, %mul3A_33 : i32
    %add3A_35 = arith.constant 0 : i32
    %add3A_36 = arith.addi %mul3A_34, %add3A_35 : i32
    %mul3A_37 = arith.constant 1024 : i32
    %mul3A_38 = arith.muli %add3A_36, %mul3A_37 : i32
    "tpu.region"() ({
      %run_scoped3A = tpu.sem_alloc : memref<!tpu.dma_semaphore, #tpu.memory_space<semaphore_mem>>
      %dma_start3A = arith.constant 16 : i32
      %dma_start3A_1160 = tpu.memref_slice %arg7[%dma_start3A] : memref<1040xf32, #tpu.memory_space<vmem>> -> memref<1024xf32, #tpu.memory_space<vmem>>
      %dma_start3A_1161 = tpu.memref_slice %arg2[%mul3A_38] : memref<12288xf32, #tpu.memory_space<hbm>> -> memref<1024xf32, #tpu.memory_space<hbm>>
      %dma_start3A_1162 = arith.constant 16 : i32
      %dma_start3A_1163 = tpu.memref_slice %arg7[%dma_start3A_1162] : memref<1040xf32, #tpu.memory_space<vmem>> -> memref<1024xf32, #tpu.memory_space<vmem>>
      %dma_start3A_1164 = tpu.memref_slice %arg2[%mul3A_38] : memref<12288xf32, #tpu.memory_space<hbm>> -> memref<1024xf32, #tpu.memory_space<hbm>>
      tpu.enqueue_dma source(%dma_start3A_1164 : memref<1024xf32, #tpu.memory_space<hbm>>) target(%dma_start3A_1163 : memref<1024xf32, #tpu.memory_space<vmem>>) target_semaphore(%run_scoped3A : memref<!tpu.dma_semaphore, #tpu.memory_space<semaphore_mem>>)
      %dma_wait3A = arith.constant 16 : i32
      %dma_wait3A_1165 = tpu.memref_slice %arg7[%dma_wait3A] : memref<1040xf32, #tpu.memory_space<vmem>> -> memref<1024xf32, #tpu.memory_space<vmem>>
      %dma_wait3A_1166 = tpu.memref_slice %arg2[%mul3A_38] : memref<12288xf32, #tpu.memory_space<hbm>> -> memref<1024xf32, #tpu.memory_space<hbm>>
      %dma_wait3A_1167 = arith.constant 16 : i32
      %dma_wait3A_1168 = tpu.memref_slice %arg7[%dma_wait3A_1167] : memref<1040xf32, #tpu.memory_space<vmem>> -> memref<1024xf32, #tpu.memory_space<vmem>>
      %dma_wait3A_1169 = tpu.memref_slice %arg2[%mul3A_38] : memref<12288xf32, #tpu.memory_space<hbm>> -> memref<1024xf32, #tpu.memory_space<hbm>>
      tpu.wait_dma2 semaphore(%run_scoped3A : memref<!tpu.dma_semaphore, #tpu.memory_space<semaphore_mem>>) src(%dma_wait3A_1169 : memref<1024xf32, #tpu.memory_space<hbm>>) dst(%dma_wait3A_1168 : memref<1024xf32, #tpu.memory_space<vmem>>)
      tpu.yield
    }) : () -> ()
    %mul3A_39 = arith.constant 3 : i32
    %mul3A_40 = arith.muli %select_n3A, %mul3A_39 : i32
    %add3A_41 = arith.constant 0 : i32
    %add3A_42 = arith.addi %mul3A_40, %add3A_41 : i32
    %mul3A_43 = arith.constant 1024 : i32
    %mul3A_44 = arith.muli %add3A_42, %mul3A_43 : i32
    %add3A_45 = arith.addi %mul3A_44, %mul3A_32 : i32
    "tpu.region"() ({
      %run_scoped3A = tpu.sem_alloc : memref<!tpu.dma_semaphore, #tpu.memory_space<semaphore_mem>>
      %dma_start3A = tpu.memref_slice %arg3[%add3A_45] : memref<12288xf32, #tpu.memory_space<hbm>> -> memref<128xf32, #tpu.memory_space<hbm>>
      %dma_start3A_1160 = tpu.memref_slice %arg3[%add3A_45] : memref<12288xf32, #tpu.memory_space<hbm>> -> memref<128xf32, #tpu.memory_space<hbm>>
      tpu.enqueue_dma source(%dma_start3A_1160 : memref<128xf32, #tpu.memory_space<hbm>>) target(%arg10 : memref<128xf32, #tpu.memory_space<vmem>>) target_semaphore(%run_scoped3A : memref<!tpu.dma_semaphore, #tpu.memory_space<semaphore_mem>>)
      %dma_wait3A = tpu.memref_slice %arg3[%add3A_45] : memref<12288xf32, #tpu.memory_space<hbm>> -> memref<128xf32, #tpu.memory_space<hbm>>
      %dma_wait3A_1161 = tpu.memref_slice %arg3[%add3A_45] : memref<12288xf32, #tpu.memory_space<hbm>> -> memref<128xf32, #tpu.memory_space<hbm>>
      tpu.wait_dma2 semaphore(%run_scoped3A : memref<!tpu.dma_semaphore, #tpu.memory_space<semaphore_mem>>) src(%dma_wait3A_1161 : memref<128xf32, #tpu.memory_space<hbm>>) dst(%arg10 : memref<128xf32, #tpu.memory_space<vmem>>)
      tpu.yield
    }) : () -> ()
    %mul3A_46 = arith.constant 3 : i32
    %mul3A_47 = arith.muli %select_n3A, %mul3A_46 : i32
    %add3A_48 = arith.constant 1 : i32
    %add3A_49 = arith.addi %mul3A_47, %add3A_48 : i32
    %mul3A_50 = arith.constant 1024 : i32
    %mul3A_51 = arith.muli %add3A_49, %mul3A_50 : i32
    "tpu.region"() ({
      %run_scoped3A = tpu.sem_alloc : memref<!tpu.dma_semaphore, #tpu.memory_space<semaphore_mem>>
      %dma_start3A = arith.constant 16 : i32
      %dma_start3A_1160 = tpu.memref_slice %arg8[%dma_start3A] : memref<1040xf32, #tpu.memory_space<vmem>> -> memref<1024xf32, #tpu.memory_space<vmem>>
      %dma_start3A_1161 = tpu.memref_slice %arg2[%mul3A_51] : memref<12288xf32, #tpu.memory_space<hbm>> -> memref<1024xf32, #tpu.memory_space<hbm>>
      %dma_start3A_1162 = arith.constant 16 : i32
      %dma_start3A_1163 = tpu.memref_slice %arg8[%dma_start3A_1162] : memref<1040xf32, #tpu.memory_space<vmem>> -> memref<1024xf32, #tpu.memory_space<vmem>>
      %dma_start3A_1164 = tpu.memref_slice %arg2[%mul3A_51] : memref<12288xf32, #tpu.memory_space<hbm>> -> memref<1024xf32, #tpu.memory_space<hbm>>
      tpu.enqueue_dma source(%dma_start3A_1164 : memref<1024xf32, #tpu.memory_space<hbm>>) target(%dma_start3A_1163 : memref<1024xf32, #tpu.memory_space<vmem>>) target_semaphore(%run_scoped3A : memref<!tpu.dma_semaphore, #tpu.memory_space<semaphore_mem>>)
      %dma_wait3A = arith.constant 16 : i32
      %dma_wait3A_1165 = tpu.memref_slice %arg8[%dma_wait3A] : memref<1040xf32, #tpu.memory_space<vmem>> -> memref<1024xf32, #tpu.memory_space<vmem>>
      %dma_wait3A_1166 = tpu.memref_slice %arg2[%mul3A_51] : memref<12288xf32, #tpu.memory_space<hbm>> -> memref<1024xf32, #tpu.memory_space<hbm>>
      %dma_wait3A_1167 = arith.constant 16 : i32
      %dma_wait3A_1168 = tpu.memref_slice %arg8[%dma_wait3A_1167] : memref<1040xf32, #tpu.memory_space<vmem>> -> memref<1024xf32, #tpu.memory_space<vmem>>
      %dma_wait3A_1169 = tpu.memref_slice %arg2[%mul3A_51] : memref<12288xf32, #tpu.memory_space<hbm>> -> memref<1024xf32, #tpu.memory_space<hbm>>
      tpu.wait_dma2 semaphore(%run_scoped3A : memref<!tpu.dma_semaphore, #tpu.memory_space<semaphore_mem>>) src(%dma_wait3A_1169 : memref<1024xf32, #tpu.memory_space<hbm>>) dst(%dma_wait3A_1168 : memref<1024xf32, #tpu.memory_space<vmem>>)
      tpu.yield
    }) : () -> ()
    %mul3A_52 = arith.constant 3 : i32
    %mul3A_53 = arith.muli %select_n3A, %mul3A_52 : i32
    %add3A_54 = arith.constant 1 : i32
    %add3A_55 = arith.addi %mul3A_53, %add3A_54 : i32
    %mul3A_56 = arith.constant 1024 : i32
    %mul3A_57 = arith.muli %add3A_55, %mul3A_56 : i32
    %add3A_58 = arith.addi %mul3A_57, %mul3A_32 : i32
    "tpu.region"() ({
      %run_scoped3A = tpu.sem_alloc : memref<!tpu.dma_semaphore, #tpu.memory_space<semaphore_mem>>
      %dma_start3A = tpu.memref_slice %arg3[%add3A_58] : memref<12288xf32, #tpu.memory_space<hbm>> -> memref<128xf32, #tpu.memory_space<hbm>>
      %dma_start3A_1160 = tpu.memref_slice %arg3[%add3A_58] : memref<12288xf32, #tpu.memory_space<hbm>> -> memref<128xf32, #tpu.memory_space<hbm>>
      tpu.enqueue_dma source(%dma_start3A_1160 : memref<128xf32, #tpu.memory_space<hbm>>) target(%arg11 : memref<128xf32, #tpu.memory_space<vmem>>) target_semaphore(%run_scoped3A : memref<!tpu.dma_semaphore, #tpu.memory_space<semaphore_mem>>)
      %dma_wait3A = tpu.memref_slice %arg3[%add3A_58] : memref<12288xf32, #tpu.memory_space<hbm>> -> memref<128xf32, #tpu.memory_space<hbm>>
      %dma_wait3A_1161 = tpu.memref_slice %arg3[%add3A_58] : memref<12288xf32, #tpu.memory_space<hbm>> -> memref<128xf32, #tpu.memory_space<hbm>>
      tpu.wait_dma2 semaphore(%run_scoped3A : memref<!tpu.dma_semaphore, #tpu.memory_space<semaphore_mem>>) src(%dma_wait3A_1161 : memref<128xf32, #tpu.memory_space<hbm>>) dst(%arg11 : memref<128xf32, #tpu.memory_space<vmem>>)
      tpu.yield
    }) : () -> ()
    %mul3A_59 = arith.constant 3 : i32
    %mul3A_60 = arith.muli %select_n3A, %mul3A_59 : i32
    %add3A_61 = arith.constant 2 : i32
    %add3A_62 = arith.addi %mul3A_60, %add3A_61 : i32
    %mul3A_63 = arith.constant 1024 : i32
    %mul3A_64 = arith.muli %add3A_62, %mul3A_63 : i32
    "tpu.region"() ({
      %run_scoped3A = tpu.sem_alloc : memref<!tpu.dma_semaphore, #tpu.memory_space<semaphore_mem>>
      %dma_start3A = arith.constant 16 : i32
      %dma_start3A_1160 = tpu.memref_slice %arg9[%dma_start3A] : memref<1040xf32, #tpu.memory_space<vmem>> -> memref<1024xf32, #tpu.memory_space<vmem>>
      %dma_start3A_1161 = tpu.memref_slice %arg2[%mul3A_64] : memref<12288xf32, #tpu.memory_space<hbm>> -> memref<1024xf32, #tpu.memory_space<hbm>>
      %dma_start3A_1162 = arith.constant 16 : i32
      %dma_start3A_1163 = tpu.memref_slice %arg9[%dma_start3A_1162] : memref<1040xf32, #tpu.memory_space<vmem>> -> memref<1024xf32, #tpu.memory_space<vmem>>
      %dma_start3A_1164 = tpu.memref_slice %arg2[%mul3A_64] : memref<12288xf32, #tpu.memory_space<hbm>> -> memref<1024xf32, #tpu.memory_space<hbm>>
      tpu.enqueue_dma source(%dma_start3A_1164 : memref<1024xf32, #tpu.memory_space<hbm>>) target(%dma_start3A_1163 : memref<1024xf32, #tpu.memory_space<vmem>>) target_semaphore(%run_scoped3A : memref<!tpu.dma_semaphore, #tpu.memory_space<semaphore_mem>>)
      %dma_wait3A = arith.constant 16 : i32
      %dma_wait3A_1165 = tpu.memref_slice %arg9[%dma_wait3A] : memref<1040xf32, #tpu.memory_space<vmem>> -> memref<1024xf32, #tpu.memory_space<vmem>>
      %dma_wait3A_1166 = tpu.memref_slice %arg2[%mul3A_64] : memref<12288xf32, #tpu.memory_space<hbm>> -> memref<1024xf32, #tpu.memory_space<hbm>>
      %dma_wait3A_1167 = arith.constant 16 : i32
      %dma_wait3A_1168 = tpu.memref_slice %arg9[%dma_wait3A_1167] : memref<1040xf32, #tpu.memory_space<vmem>> -> memref<1024xf32, #tpu.memory_space<vmem>>
      %dma_wait3A_1169 = tpu.memref_slice %arg2[%mul3A_64] : memref<12288xf32, #tpu.memory_space<hbm>> -> memref<1024xf32, #tpu.memory_space<hbm>>
      tpu.wait_dma2 semaphore(%run_scoped3A : memref<!tpu.dma_semaphore, #tpu.memory_space<semaphore_mem>>) src(%dma_wait3A_1169 : memref<1024xf32, #tpu.memory_space<hbm>>) dst(%dma_wait3A_1168 : memref<1024xf32, #tpu.memory_space<vmem>>)
      tpu.yield
    }) : () -> ()
    %mul3A_65 = arith.constant 3 : i32
    %mul3A_66 = arith.muli %select_n3A, %mul3A_65 : i32
    %add3A_67 = arith.constant 2 : i32
    %add3A_68 = arith.addi %mul3A_66, %add3A_67 : i32
    %mul3A_69 = arith.constant 1024 : i32
    %mul3A_70 = arith.muli %add3A_68, %mul3A_69 : i32
    %add3A_71 = arith.addi %mul3A_70, %mul3A_32 : i32
    "tpu.region"() ({
      %run_scoped3A = tpu.sem_alloc : memref<!tpu.dma_semaphore, #tpu.memory_space<semaphore_mem>>
      %dma_start3A = tpu.memref_slice %arg3[%add3A_71] : memref<12288xf32, #tpu.memory_space<hbm>> -> memref<128xf32, #tpu.memory_space<hbm>>
      %dma_start3A_1160 = tpu.memref_slice %arg3[%add3A_71] : memref<12288xf32, #tpu.memory_space<hbm>> -> memref<128xf32, #tpu.memory_space<hbm>>
      tpu.enqueue_dma source(%dma_start3A_1160 : memref<128xf32, #tpu.memory_space<hbm>>) target(%arg12 : memref<128xf32, #tpu.memory_space<vmem>>) target_semaphore(%run_scoped3A : memref<!tpu.dma_semaphore, #tpu.memory_space<semaphore_mem>>)
      %dma_wait3A = tpu.memref_slice %arg3[%add3A_71] : memref<12288xf32, #tpu.memory_space<hbm>> -> memref<128xf32, #tpu.memory_space<hbm>>
      %dma_wait3A_1161 = tpu.memref_slice %arg3[%add3A_71] : memref<12288xf32, #tpu.memory_space<hbm>> -> memref<128xf32, #tpu.memory_space<hbm>>
      tpu.wait_dma2 semaphore(%run_scoped3A : memref<!tpu.dma_semaphore, #tpu.memory_space<semaphore_mem>>) src(%dma_wait3A_1161 : memref<128xf32, #tpu.memory_space<hbm>>) dst(%arg12 : memref<128xf32, #tpu.memory_space<vmem>>)
      tpu.yield
    }) : () -> ()
    %mul3A_72 = arith.constant 16 : i32
    %mul3A_73 = arith.muli %select_n3A, %mul3A_72 : i32
    "tpu.region"() ({
      %run_scoped3A = tpu.sem_alloc : memref<!tpu.dma_semaphore, #tpu.memory_space<semaphore_mem>>
      %dma_start3A = arith.constant 16 : i32
      %dma_start3A_1160 = tpu.memref_slice %arg13[%dma_start3A] : memref<32xf32, #tpu.memory_space<vmem>> -> memref<16xf32, #tpu.memory_space<vmem>>
      %dma_start3A_1161 = tpu.memref_slice %arg4[%mul3A_73] : memref<64xf32, #tpu.memory_space<hbm>> -> memref<16xf32, #tpu.memory_space<hbm>>
      %dma_start3A_1162 = arith.constant 16 : i32
      %dma_start3A_1163 = tpu.memref_slice %arg13[%dma_start3A_1162] : memref<32xf32, #tpu.memory_space<vmem>> -> memref<16xf32, #tpu.memory_space<vmem>>
      %dma_start3A_1164 = tpu.memref_slice %arg4[%mul3A_73] : memref<64xf32, #tpu.memory_space<hbm>> -> memref<16xf32, #tpu.memory_space<hbm>>
      tpu.enqueue_dma source(%dma_start3A_1164 : memref<16xf32, #tpu.memory_space<hbm>>) target(%dma_start3A_1163 : memref<16xf32, #tpu.memory_space<vmem>>) target_semaphore(%run_scoped3A : memref<!tpu.dma_semaphore, #tpu.memory_space<semaphore_mem>>)
      %dma_wait3A = arith.constant 16 : i32
      %dma_wait3A_1165 = tpu.memref_slice %arg13[%dma_wait3A] : memref<32xf32, #tpu.memory_space<vmem>> -> memref<16xf32, #tpu.memory_space<vmem>>
      %dma_wait3A_1166 = tpu.memref_slice %arg4[%mul3A_73] : memref<64xf32, #tpu.memory_space<hbm>> -> memref<16xf32, #tpu.memory_space<hbm>>
      %dma_wait3A_1167 = arith.constant 16 : i32
      %dma_wait3A_1168 = tpu.memref_slice %arg13[%dma_wait3A_1167] : memref<32xf32, #tpu.memory_space<vmem>> -> memref<16xf32, #tpu.memory_space<vmem>>
      %dma_wait3A_1169 = tpu.memref_slice %arg4[%mul3A_73] : memref<64xf32, #tpu.memory_space<hbm>> -> memref<16xf32, #tpu.memory_space<hbm>>
      tpu.wait_dma2 semaphore(%run_scoped3A : memref<!tpu.dma_semaphore, #tpu.memory_space<semaphore_mem>>) src(%dma_wait3A_1169 : memref<16xf32, #tpu.memory_space<hbm>>) dst(%dma_wait3A_1168 : memref<16xf32, #tpu.memory_space<vmem>>)
      tpu.yield
    }) : () -> ()
    %broadcast_in_dim3A = arith.constant 16 : i32
    %broadcast_in_dim3A_74 = vector.broadcast %broadcast_in_dim3A : i32 to vector<16xi32>
    %gather3A = tpu.vector_load_idx %arg13[%broadcast_in_dim3A_74] : memref<32xf32, #tpu.memory_space<vmem>>[vector<16xi32>], vector<16xf32>,
    %broadcast_in_dim3A_75 = arith.constant 17 : i32
    %broadcast_in_dim3A_76 = vector.broadcast %broadcast_in_dim3A_75 : i32 to vector<16xi32>
    %gather3A_77 = tpu.vector_load_idx %arg13[%broadcast_in_dim3A_76] : memref<32xf32, #tpu.memory_space<vmem>>[vector<16xi32>], vector<16xf32>,
    %broadcast_in_dim3A_78 = arith.constant 18 : i32
    %broadcast_in_dim3A_79 = vector.broadcast %broadcast_in_dim3A_78 : i32 to vector<16xi32>
    %gather3A_80 = tpu.vector_load_idx %arg13[%broadcast_in_dim3A_79] : memref<32xf32, #tpu.memory_space<vmem>>[vector<16xi32>], vector<16xf32>,
    %broadcast_in_dim3A_81 = arith.constant 19 : i32
    %broadcast_in_dim3A_82 = vector.broadcast %broadcast_in_dim3A_81 : i32 to vector<16xi32>
    %gather3A_83 = tpu.vector_load_idx %arg13[%broadcast_in_dim3A_82] : memref<32xf32, #tpu.memory_space<vmem>>[vector<16xi32>], vector<16xf32>,
    %broadcast_in_dim3A_84 = arith.constant 20 : i32
    %broadcast_in_dim3A_85 = vector.broadcast %broadcast_in_dim3A_84 : i32 to vector<16xi32>
    %gather3A_86 = tpu.vector_load_idx %arg13[%broadcast_in_dim3A_85] : memref<32xf32, #tpu.memory_space<vmem>>[vector<16xi32>], vector<16xf32>,
    %broadcast_in_dim3A_87 = arith.constant 21 : i32
    %broadcast_in_dim3A_88 = vector.broadcast %broadcast_in_dim3A_87 : i32 to vector<16xi32>
    %gather3A_89 = tpu.vector_load_idx %arg13[%broadcast_in_dim3A_88] : memref<32xf32, #tpu.memory_space<vmem>>[vector<16xi32>], vector<16xf32>,
    %broadcast_in_dim3A_90 = arith.constant 22 : i32
    %broadcast_in_dim3A_91 = vector.broadcast %broadcast_in_dim3A_90 : i32 to vector<16xi32>
    %gather3A_92 = tpu.vector_load_idx %arg13[%broadcast_in_dim3A_91] : memref<32xf32, #tpu.memory_space<vmem>>[vector<16xi32>], vector<16xf32>,
    %broadcast_in_dim3A_93 = arith.constant 23 : i32
    %broadcast_in_dim3A_94 = vector.broadcast %broadcast_in_dim3A_93 : i32 to vector<16xi32>
    %gather3A_95 = tpu.vector_load_idx %arg13[%broadcast_in_dim3A_94] : memref<32xf32, #tpu.memory_space<vmem>>[vector<16xi32>], vector<16xf32>,
    %broadcast_in_dim3A_96 = arith.constant 24 : i32
    %broadcast_in_dim3A_97 = vector.broadcast %broadcast_in_dim3A_96 : i32 to vector<16xi32>
    %gather3A_98 = tpu.vector_load_idx %arg13[%broadcast_in_dim3A_97] : memref<32xf32, #tpu.memory_space<vmem>>[vector<16xi32>], vector<16xf32>,
    %broadcast_in_dim3A_99 = arith.constant 25 : i32
    %broadcast_in_dim3A_100 = vector.broadcast %broadcast_in_dim3A_99 : i32 to vector<16xi32>
    %gather3A_101 = tpu.vector_load_idx %arg13[%broadcast_in_dim3A_100] : memref<32xf32, #tpu.memory_space<vmem>>[vector<16xi32>], vector<16xf32>,
    %broadcast_in_dim3A_102 = arith.constant 26 : i32
    %broadcast_in_dim3A_103 = vector.broadcast %broadcast_in_dim3A_102 : i32 to vector<16xi32>
    %gather3A_104 = tpu.vector_load_idx %arg13[%broadcast_in_dim3A_103] : memref<32xf32, #tpu.memory_space<vmem>>[vector<16xi32>], vector<16xf32>,
    %broadcast_in_dim3A_105 = arith.constant 27 : i32
    %broadcast_in_dim3A_106 = vector.broadcast %broadcast_in_dim3A_105 : i32 to vector<16xi32>
    %gather3A_107 = tpu.vector_load_idx %arg13[%broadcast_in_dim3A_106] : memref<32xf32, #tpu.memory_space<vmem>>[vector<16xi32>], vector<16xf32>,
    %scan3A = arith.constant 0 : i32
    %scan3A_108 = arith.constant 0 : i32
    %scan3A_109 = arith.constant 64 : i32
    %scan3A_110 = arith.addi %scan3A_108, %scan3A_109 : i32
    %scan3A_111 = arith.constant 1 : i32
    scf.for %scan3A_1160 = %scan3A_108 to %scan3A_110 step %scan3A_111  : i32 {
      %mul3A_1161 = arith.constant 16 : i32
      %mul3A_1162 = arith.muli %scan3A_1160, %mul3A_1161 : i32
      %add3A_1163 = arith.constant 16 : i32
      %add3A_1164 = arith.addi %add3A_1163, %mul3A_1162 : i32
      %get3A_1165 = arith.index_cast %add3A_1164 : i32 to index
      %get3A_1166 = tpu.vector_load %arg7[%get3A_1165] {strides = array<i32>} : memref<1040xf32, #tpu.memory_space<vmem>>, vector<16xf32>,
      %add3A_1167 = arith.constant 16 : i32
      %add3A_1168 = arith.addi %add3A_1167, %mul3A_1162 : i32
      %get3A_1169 = arith.index_cast %add3A_1168 : i32 to index
      %get3A_1170 = tpu.vector_load %arg8[%get3A_1169] {strides = array<i32>} : memref<1040xf32, #tpu.memory_space<vmem>>, vector<16xf32>,
      %add3A_1171 = arith.constant 16 : i32
      %add3A_1172 = arith.addi %add3A_1171, %mul3A_1162 : i32
      %get3A_1173 = arith.index_cast %add3A_1172 : i32 to index
      %get3A_1174 = tpu.vector_load %arg9[%get3A_1173] {strides = array<i32>} : memref<1040xf32, #tpu.memory_space<vmem>>, vector<16xf32>,
      %mul3A_1175 = arith.mulf %get3A_1166, %get3A_1166 : vector<16xf32>
      %mul3A_1176 = arith.mulf %get3A_1170, %get3A_1170 : vector<16xf32>
      %add3A_1177 = arith.addf %mul3A_1175, %mul3A_1176 : vector<16xf32>
      %mul3A_1178 = arith.mulf %get3A_1174, %get3A_1174 : vector<16xf32>
      %add3A_1179 = arith.addf %add3A_1177, %mul3A_1178 : vector<16xf32>
      %add3A_1180 = arith.constant 16 : i32
      %add3A_1181 = arith.addi %add3A_1180, %mul3A_1162 : i32
      %swap3A_1182 = arith.index_cast %add3A_1181 : i32 to index
      %swap3A_1183 = tpu.vector_load %arg14[%swap3A_1182] {strides = array<i32>} : memref<1040xf32, #tpu.memory_space<vmem>>, vector<16xf32>,
      tpu.vector_store %arg14[%swap3A_1182], %add3A_1179 {strides = array<i32>} : memref<1040xf32, #tpu.memory_space<vmem>>, vector<16xf32>,
    }
    %scan3A_112 = arith.constant 64 : i32
    %broadcast_in_dim3A_113 = arith.constant 0x7F800000 : f32
    %broadcast_in_dim3A_114 = vector.broadcast %broadcast_in_dim3A_113 : f32 to vector<16xf32>
    %broadcast_in_dim3A_115 = arith.constant 0.000000e+00 : f32
    %broadcast_in_dim3A_116 = vector.broadcast %broadcast_in_dim3A_115 : f32 to vector<16xf32>
    %broadcast_in_dim3A_117 = arith.constant 0.000000e+00 : f32
    %broadcast_in_dim3A_118 = vector.broadcast %broadcast_in_dim3A_117 : f32 to vector<16xf32>
    %get3A = arith.constant 0 : index
    %get3A_119 = tpu.vector_load %arg10[%get3A] {strides = array<i32>} : memref<128xf32, #tpu.memory_space<vmem>>, vector<16xf32>,
    %get3A_120 = arith.constant 0 : index
    %get3A_121 = tpu.vector_load %arg11[%get3A_120] {strides = array<i32>} : memref<128xf32, #tpu.memory_space<vmem>>, vector<16xf32>,
    %get3A_122 = arith.constant 0 : index
    %get3A_123 = tpu.vector_load %arg12[%get3A_122] {strides = array<i32>} : memref<128xf32, #tpu.memory_space<vmem>>, vector<16xf32>,
    %mul3A_124 = arith.mulf %gather3A, %get3A_119 : vector<16xf32>
    %mul3A_125 = arith.mulf %gather3A_77, %get3A_121 : vector<16xf32>
    %add3A_126 = arith.addf %mul3A_124, %mul3A_125 : vector<16xf32>
    %mul3A_127 = arith.mulf %gather3A_80, %get3A_123 : vector<16xf32>
    %add3A_128 = arith.addf %add3A_126, %mul3A_127 : vector<16xf32>
    %add3A_129 = arith.addf %add3A_128, %gather3A_83 : vector<16xf32>
    %mul3A_130 = arith.mulf %gather3A_86, %get3A_119 : vector<16xf32>
    %mul3A_131 = arith.mulf %gather3A_89, %get3A_121 : vector<16xf32>
    %add3A_132 = arith.addf %mul3A_130, %mul3A_131 : vector<16xf32>
    %mul3A_133 = arith.mulf %gather3A_92, %get3A_123 : vector<16xf32>
    %add3A_134 = arith.addf %add3A_132, %mul3A_133 : vector<16xf32>
    %add3A_135 = arith.addf %add3A_134, %gather3A_95 : vector<16xf32>
    %mul3A_136 = arith.mulf %gather3A_98, %get3A_119 : vector<16xf32>
    %mul3A_137 = arith.mulf %gather3A_101, %get3A_121 : vector<16xf32>
    %add3A_138 = arith.addf %mul3A_136, %mul3A_137 : vector<16xf32>
    %mul3A_139 = arith.mulf %gather3A_104, %get3A_123 : vector<16xf32>
    %add3A_140 = arith.addf %add3A_138, %mul3A_139 : vector<16xf32>
    %add3A_141 = arith.addf %add3A_140, %gather3A_107 : vector<16xf32>
    %add3A_142 = arith.constant 0 : i32
    %add3A_143 = arith.addi %mul3A_32, %add3A_142 : i32
    %add3A_144 = arith.constant 16 : i32
    %add3A_145 = arith.addi %add3A_144, %add3A_143 : i32
    %get3A_146 = arith.index_cast %add3A_145 : i32 to index
    %get3A_147 = tpu.vector_load %arg7[%get3A_146] {strides = array<i32>} : memref<1040xf32, #tpu.memory_space<vmem>>, vector<16xf32>,
    %add3A_148 = arith.constant 16 : i32
    %add3A_149 = arith.addi %add3A_148, %add3A_143 : i32
    %get3A_150 = arith.index_cast %add3A_149 : i32 to index
    %get3A_151 = tpu.vector_load %arg8[%get3A_150] {strides = array<i32>} : memref<1040xf32, #tpu.memory_space<vmem>>, vector<16xf32>,
    %add3A_152 = arith.constant 16 : i32
    %add3A_153 = arith.addi %add3A_152, %add3A_143 : i32
    %get3A_154 = arith.index_cast %add3A_153 : i32 to index
    %get3A_155 = tpu.vector_load %arg9[%get3A_154] {strides = array<i32>} : memref<1040xf32, #tpu.memory_space<vmem>>, vector<16xf32>,
    %sub3A_156 = arith.subf %add3A_129, %get3A_147 : vector<16xf32>
    %sub3A_157 = arith.subf %add3A_135, %get3A_151 : vector<16xf32>
    %sub3A_158 = arith.subf %add3A_141, %get3A_155 : vector<16xf32>
    %mul3A_159 = arith.mulf %sub3A_156, %sub3A_156 : vector<16xf32>
    %mul3A_160 = arith.mulf %sub3A_157, %sub3A_157 : vector<16xf32>
    %add3A_161 = arith.addf %mul3A_159, %mul3A_160 : vector<16xf32>
    %mul3A_162 = arith.mulf %sub3A_158, %sub3A_158 : vector<16xf32>
    %add3A_163 = arith.addf %add3A_161, %mul3A_162 : vector<16xf32>
    %max3A = arith.constant 9.99999996E-13 : f32
    %max3A_164 = vector.broadcast %max3A : f32 to vector<16xf32>
    %max3A_165 = arith.maximumf %add3A_163, %max3A_164 : vector<16xf32>
    %bitcast3A = vector.bitcast %max3A_165 : vector<16xf32> to vector<16xi32>
    %broadcast_in_dim3A_166 = arith.constant 1597463007 : i32
    %broadcast_in_dim3A_167 = vector.broadcast %broadcast_in_dim3A_166 : i32 to vector<16xi32>
    %shift_right_logical3A = arith.constant 1 : i32
    %shift_right_logical3A_168 = vector.broadcast %shift_right_logical3A : i32 to vector<16xi32>
    %shift_right_logical3A_169 = arith.shrui %bitcast3A, %shift_right_logical3A_168 : vector<16xi32>
    %sub3A_170 = arith.subi %broadcast_in_dim3A_167, %shift_right_logical3A_169 : vector<16xi32>
    %bitcast3A_171 = vector.bitcast %sub3A_170 : vector<16xi32> to vector<16xf32>
    %mul3A_172 = arith.constant 5.000000e-01 : f32
    %mul3A_173 = vector.broadcast %mul3A_172 : f32 to vector<16xf32>
    %mul3A_174 = arith.mulf %max3A_165, %mul3A_173 : vector<16xf32>
    %mul3A_175 = arith.mulf %mul3A_174, %bitcast3A_171 : vector<16xf32>
    %mul3A_176 = arith.mulf %mul3A_175, %bitcast3A_171 : vector<16xf32>
    %sub3A_177 = arith.constant 1.500000e+00 : f32
    %sub3A_178 = vector.broadcast %sub3A_177 : f32 to vector<16xf32>
    %sub3A_179 = arith.subf %sub3A_178, %mul3A_176 : vector<16xf32>
    %mul3A_180 = arith.mulf %bitcast3A_171, %sub3A_179 : vector<16xf32>
    %mul3A_181 = arith.mulf %mul3A_174, %mul3A_180 : vector<16xf32>
    %mul3A_182 = arith.mulf %mul3A_181, %mul3A_180 : vector<16xf32>
    %sub3A_183 = arith.constant 1.500000e+00 : f32
    %sub3A_184 = vector.broadcast %sub3A_183 : f32 to vector<16xf32>
    %sub3A_185 = arith.subf %sub3A_184, %mul3A_182 : vector<16xf32>
    %mul3A_186 = arith.mulf %mul3A_180, %sub3A_185 : vector<16xf32>
    %mul3A_187 = arith.mulf %mul3A_174, %mul3A_186 : vector<16xf32>
    %mul3A_188 = arith.mulf %mul3A_187, %mul3A_186 : vector<16xf32>
    %sub3A_189 = arith.constant 1.500000e+00 : f32
    %sub3A_190 = vector.broadcast %sub3A_189 : f32 to vector<16xf32>
    %sub3A_191 = arith.subf %sub3A_190, %mul3A_188 : vector<16xf32>
    %mul3A_192 = arith.mulf %mul3A_186, %sub3A_191 : vector<16xf32>
    %mul3A_193 = arith.mulf %max3A_165, %mul3A_192 : vector<16xf32>
    %add3A_194 = arith.addf %broadcast_in_dim3A_118, %mul3A_193 : vector<16xf32>
    %mul3A_195 = arith.mulf %add3A_129, %add3A_129 : vector<16xf32>
    %mul3A_196 = arith.mulf %add3A_135, %add3A_135 : vector<16xf32>
    %add3A_197 = arith.addf %mul3A_195, %mul3A_196 : vector<16xf32>
    %mul3A_198 = arith.mulf %add3A_141, %add3A_141 : vector<16xf32>
    %add3A_199 = arith.addf %add3A_197, %mul3A_198 : vector<16xf32>
    %mul3A_200 = arith.constant -2.000000e+00 : f32
    %mul3A_201 = vector.broadcast %mul3A_200 : f32 to vector<16xf32>
    %mul3A_202 = arith.mulf %mul3A_201, %add3A_129 : vector<16xf32>
    %mul3A_203 = arith.constant -2.000000e+00 : f32
    %mul3A_204 = vector.broadcast %mul3A_203 : f32 to vector<16xf32>
    %mul3A_205 = arith.mulf %mul3A_204, %add3A_135 : vector<16xf32>
    %mul3A_206 = arith.constant -2.000000e+00 : f32
    %mul3A_207 = vector.broadcast %mul3A_206 : f32 to vector<16xf32>
    %mul3A_208 = arith.mulf %mul3A_207, %add3A_141 : vector<16xf32>
    %get3A_209 = arith.constant 16 : index
    %get3A_210 = tpu.vector_load %arg10[%get3A_209] {strides = array<i32>} : memref<128xf32, #tpu.memory_space<vmem>>, vector<16xf32>,
    %get3A_211 = arith.constant 16 : index
    %get3A_212 = tpu.vector_load %arg11[%get3A_211] {strides = array<i32>} : memref<128xf32, #tpu.memory_space<vmem>>, vector<16xf32>,
    %get3A_213 = arith.constant 16 : index
    %get3A_214 = tpu.vector_load %arg12[%get3A_213] {strides = array<i32>} : memref<128xf32, #tpu.memory_space<vmem>>, vector<16xf32>,
    %mul3A_215 = arith.mulf %gather3A, %get3A_210 : vector<16xf32>
    %mul3A_216 = arith.mulf %gather3A_77, %get3A_212 : vector<16xf32>
    %add3A_217 = arith.addf %mul3A_215, %mul3A_216 : vector<16xf32>
    %mul3A_218 = arith.mulf %gather3A_80, %get3A_214 : vector<16xf32>
    %add3A_219 = arith.addf %add3A_217, %mul3A_218 : vector<16xf32>
    %add3A_220 = arith.addf %add3A_219, %gather3A_83 : vector<16xf32>
    %mul3A_221 = arith.mulf %gather3A_86, %get3A_210 : vector<16xf32>
    %mul3A_222 = arith.mulf %gather3A_89, %get3A_212 : vector<16xf32>
    %add3A_223 = arith.addf %mul3A_221, %mul3A_222 : vector<16xf32>
    %mul3A_224 = arith.mulf %gather3A_92, %get3A_214 : vector<16xf32>
    %add3A_225 = arith.addf %add3A_223, %mul3A_224 : vector<16xf32>
    %add3A_226 = arith.addf %add3A_225, %gather3A_95 : vector<16xf32>
    %mul3A_227 = arith.mulf %gather3A_98, %get3A_210 : vector<16xf32>
    %mul3A_228 = arith.mulf %gather3A_101, %get3A_212 : vector<16xf32>
    %add3A_229 = arith.addf %mul3A_227, %mul3A_228 : vector<16xf32>
    %mul3A_230 = arith.mulf %gather3A_104, %get3A_214 : vector<16xf32>
    %add3A_231 = arith.addf %add3A_229, %mul3A_230 : vector<16xf32>
    %add3A_232 = arith.addf %add3A_231, %gather3A_107 : vector<16xf32>
    %add3A_233 = arith.constant 16 : i32
    %add3A_234 = arith.addi %mul3A_32, %add3A_233 : i32
    %add3A_235 = arith.constant 16 : i32
    %add3A_236 = arith.addi %add3A_235, %add3A_234 : i32
    %get3A_237 = arith.index_cast %add3A_236 : i32 to index
    %get3A_238 = tpu.vector_load %arg7[%get3A_237] {strides = array<i32>} : memref<1040xf32, #tpu.memory_space<vmem>>, vector<16xf32>,
    %add3A_239 = arith.constant 16 : i32
    %add3A_240 = arith.addi %add3A_239, %add3A_234 : i32
    %get3A_241 = arith.index_cast %add3A_240 : i32 to index
    %get3A_242 = tpu.vector_load %arg8[%get3A_241] {strides = array<i32>} : memref<1040xf32, #tpu.memory_space<vmem>>, vector<16xf32>,
    %add3A_243 = arith.constant 16 : i32
    %add3A_244 = arith.addi %add3A_243, %add3A_234 : i32
    %get3A_245 = arith.index_cast %add3A_244 : i32 to index
    %get3A_246 = tpu.vector_load %arg9[%get3A_245] {strides = array<i32>} : memref<1040xf32, #tpu.memory_space<vmem>>, vector<16xf32>,
    %sub3A_247 = arith.subf %add3A_220, %get3A_238 : vector<16xf32>
    %sub3A_248 = arith.subf %add3A_226, %get3A_242 : vector<16xf32>
    %sub3A_249 = arith.subf %add3A_232, %get3A_246 : vector<16xf32>
    %mul3A_250 = arith.mulf %sub3A_247, %sub3A_247 : vector<16xf32>
    %mul3A_251 = arith.mulf %sub3A_248, %sub3A_248 : vector<16xf32>
    %add3A_252 = arith.addf %mul3A_250, %mul3A_251 : vector<16xf32>
    %mul3A_253 = arith.mulf %sub3A_249, %sub3A_249 : vector<16xf32>
    %add3A_254 = arith.addf %add3A_252, %mul3A_253 : vector<16xf32>
    %max3A_255 = arith.constant 9.99999996E-13 : f32
    %max3A_256 = vector.broadcast %max3A_255 : f32 to vector<16xf32>
    %max3A_257 = arith.maximumf %add3A_254, %max3A_256 : vector<16xf32>
    %bitcast3A_258 = vector.bitcast %max3A_257 : vector<16xf32> to vector<16xi32>
    %broadcast_in_dim3A_259 = arith.constant 1597463007 : i32
    %broadcast_in_dim3A_260 = vector.broadcast %broadcast_in_dim3A_259 : i32 to vector<16xi32>
    %shift_right_logical3A_261 = arith.constant 1 : i32
    %shift_right_logical3A_262 = vector.broadcast %shift_right_logical3A_261 : i32 to vector<16xi32>
    %shift_right_logical3A_263 = arith.shrui %bitcast3A_258, %shift_right_logical3A_262 : vector<16xi32>
    %sub3A_264 = arith.subi %broadcast_in_dim3A_260, %shift_right_logical3A_263 : vector<16xi32>
    %bitcast3A_265 = vector.bitcast %sub3A_264 : vector<16xi32> to vector<16xf32>
    %mul3A_266 = arith.constant 5.000000e-01 : f32
    %mul3A_267 = vector.broadcast %mul3A_266 : f32 to vector<16xf32>
    %mul3A_268 = arith.mulf %max3A_257, %mul3A_267 : vector<16xf32>
    %mul3A_269 = arith.mulf %mul3A_268, %bitcast3A_265 : vector<16xf32>
    %mul3A_270 = arith.mulf %mul3A_269, %bitcast3A_265 : vector<16xf32>
    %sub3A_271 = arith.constant 1.500000e+00 : f32
    %sub3A_272 = vector.broadcast %sub3A_271 : f32 to vector<16xf32>
    %sub3A_273 = arith.subf %sub3A_272, %mul3A_270 : vector<16xf32>
    %mul3A_274 = arith.mulf %bitcast3A_265, %sub3A_273 : vector<16xf32>
    %mul3A_275 = arith.mulf %mul3A_268, %mul3A_274 : vector<16xf32>
    %mul3A_276 = arith.mulf %mul3A_275, %mul3A_274 : vector<16xf32>
    %sub3A_277 = arith.constant 1.500000e+00 : f32
    %sub3A_278 = vector.broadcast %sub3A_277 : f32 to vector<16xf32>
    %sub3A_279 = arith.subf %sub3A_278, %mul3A_276 : vector<16xf32>
    %mul3A_280 = arith.mulf %mul3A_274, %sub3A_279 : vector<16xf32>
    %mul3A_281 = arith.mulf %mul3A_268, %mul3A_280 : vector<16xf32>
    %mul3A_282 = arith.mulf %mul3A_281, %mul3A_280 : vector<16xf32>
    %sub3A_283 = arith.constant 1.500000e+00 : f32
    %sub3A_284 = vector.broadcast %sub3A_283 : f32 to vector<16xf32>
    %sub3A_285 = arith.subf %sub3A_284, %mul3A_282 : vector<16xf32>
    %mul3A_286 = arith.mulf %mul3A_280, %sub3A_285 : vector<16xf32>
    %mul3A_287 = arith.mulf %max3A_257, %mul3A_286 : vector<16xf32>
    %add3A_288 = arith.addf %add3A_194, %mul3A_287 : vector<16xf32>
    %mul3A_289 = arith.mulf %add3A_220, %add3A_220 : vector<16xf32>
    %mul3A_290 = arith.mulf %add3A_226, %add3A_226 : vector<16xf32>
    %add3A_291 = arith.addf %mul3A_289, %mul3A_290 : vector<16xf32>
    %mul3A_292 = arith.mulf %add3A_232, %add3A_232 : vector<16xf32>
    %add3A_293 = arith.addf %add3A_291, %mul3A_292 : vector<16xf32>
    %mul3A_294 = arith.constant -2.000000e+00 : f32
    %mul3A_295 = vector.broadcast %mul3A_294 : f32 to vector<16xf32>
    %mul3A_296 = arith.mulf %mul3A_295, %add3A_220 : vector<16xf32>
    %mul3A_297 = arith.constant -2.000000e+00 : f32
    %mul3A_298 = vector.broadcast %mul3A_297 : f32 to vector<16xf32>
    %mul3A_299 = arith.mulf %mul3A_298, %add3A_226 : vector<16xf32>
    %mul3A_300 = arith.constant -2.000000e+00 : f32
    %mul3A_301 = vector.broadcast %mul3A_300 : f32 to vector<16xf32>
    %mul3A_302 = arith.mulf %mul3A_301, %add3A_232 : vector<16xf32>
    %get3A_303 = arith.constant 32 : index
    %get3A_304 = tpu.vector_load %arg10[%get3A_303] {strides = array<i32>} : memref<128xf32, #tpu.memory_space<vmem>>, vector<16xf32>,
    %get3A_305 = arith.constant 32 : index
    %get3A_306 = tpu.vector_load %arg11[%get3A_305] {strides = array<i32>} : memref<128xf32, #tpu.memory_space<vmem>>, vector<16xf32>,
    %get3A_307 = arith.constant 32 : index
    %get3A_308 = tpu.vector_load %arg12[%get3A_307] {strides = array<i32>} : memref<128xf32, #tpu.memory_space<vmem>>, vector<16xf32>,
    %mul3A_309 = arith.mulf %gather3A, %get3A_304 : vector<16xf32>
    %mul3A_310 = arith.mulf %gather3A_77, %get3A_306 : vector<16xf32>
    %add3A_311 = arith.addf %mul3A_309, %mul3A_310 : vector<16xf32>
    %mul3A_312 = arith.mulf %gather3A_80, %get3A_308 : vector<16xf32>
    %add3A_313 = arith.addf %add3A_311, %mul3A_312 : vector<16xf32>
    %add3A_314 = arith.addf %add3A_313, %gather3A_83 : vector<16xf32>
    %mul3A_315 = arith.mulf %gather3A_86, %get3A_304 : vector<16xf32>
    %mul3A_316 = arith.mulf %gather3A_89, %get3A_306 : vector<16xf32>
    %add3A_317 = arith.addf %mul3A_315, %mul3A_316 : vector<16xf32>
    %mul3A_318 = arith.mulf %gather3A_92, %get3A_308 : vector<16xf32>
    %add3A_319 = arith.addf %add3A_317, %mul3A_318 : vector<16xf32>
    %add3A_320 = arith.addf %add3A_319, %gather3A_95 : vector<16xf32>
    %mul3A_321 = arith.mulf %gather3A_98, %get3A_304 : vector<16xf32>
    %mul3A_322 = arith.mulf %gather3A_101, %get3A_306 : vector<16xf32>
    %add3A_323 = arith.addf %mul3A_321, %mul3A_322 : vector<16xf32>
    %mul3A_324 = arith.mulf %gather3A_104, %get3A_308 : vector<16xf32>
    %add3A_325 = arith.addf %add3A_323, %mul3A_324 : vector<16xf32>
    %add3A_326 = arith.addf %add3A_325, %gather3A_107 : vector<16xf32>
    %add3A_327 = arith.constant 32 : i32
    %add3A_328 = arith.addi %mul3A_32, %add3A_327 : i32
    %add3A_329 = arith.constant 16 : i32
    %add3A_330 = arith.addi %add3A_329, %add3A_328 : i32
    %get3A_331 = arith.index_cast %add3A_330 : i32 to index
    %get3A_332 = tpu.vector_load %arg7[%get3A_331] {strides = array<i32>} : memref<1040xf32, #tpu.memory_space<vmem>>, vector<16xf32>,
    %add3A_333 = arith.constant 16 : i32
    %add3A_334 = arith.addi %add3A_333, %add3A_328 : i32
    %get3A_335 = arith.index_cast %add3A_334 : i32 to index
    %get3A_336 = tpu.vector_load %arg8[%get3A_335] {strides = array<i32>} : memref<1040xf32, #tpu.memory_space<vmem>>, vector<16xf32>,
    %add3A_337 = arith.constant 16 : i32
    %add3A_338 = arith.addi %add3A_337, %add3A_328 : i32
    %get3A_339 = arith.index_cast %add3A_338 : i32 to index
    %get3A_340 = tpu.vector_load %arg9[%get3A_339] {strides = array<i32>} : memref<1040xf32, #tpu.memory_space<vmem>>, vector<16xf32>,
    %sub3A_341 = arith.subf %add3A_314, %get3A_332 : vector<16xf32>
    %sub3A_342 = arith.subf %add3A_320, %get3A_336 : vector<16xf32>
    %sub3A_343 = arith.subf %add3A_326, %get3A_340 : vector<16xf32>
    %mul3A_344 = arith.mulf %sub3A_341, %sub3A_341 : vector<16xf32>
    %mul3A_345 = arith.mulf %sub3A_342, %sub3A_342 : vector<16xf32>
    %add3A_346 = arith.addf %mul3A_344, %mul3A_345 : vector<16xf32>
    %mul3A_347 = arith.mulf %sub3A_343, %sub3A_343 : vector<16xf32>
    %add3A_348 = arith.addf %add3A_346, %mul3A_347 : vector<16xf32>
    %max3A_349 = arith.constant 9.99999996E-13 : f32
    %max3A_350 = vector.broadcast %max3A_349 : f32 to vector<16xf32>
    %max3A_351 = arith.maximumf %add3A_348, %max3A_350 : vector<16xf32>
    %bitcast3A_352 = vector.bitcast %max3A_351 : vector<16xf32> to vector<16xi32>
    %broadcast_in_dim3A_353 = arith.constant 1597463007 : i32
    %broadcast_in_dim3A_354 = vector.broadcast %broadcast_in_dim3A_353 : i32 to vector<16xi32>
    %shift_right_logical3A_355 = arith.constant 1 : i32
    %shift_right_logical3A_356 = vector.broadcast %shift_right_logical3A_355 : i32 to vector<16xi32>
    %shift_right_logical3A_357 = arith.shrui %bitcast3A_352, %shift_right_logical3A_356 : vector<16xi32>
    %sub3A_358 = arith.subi %broadcast_in_dim3A_354, %shift_right_logical3A_357 : vector<16xi32>
    %bitcast3A_359 = vector.bitcast %sub3A_358 : vector<16xi32> to vector<16xf32>
    %mul3A_360 = arith.constant 5.000000e-01 : f32
    %mul3A_361 = vector.broadcast %mul3A_360 : f32 to vector<16xf32>
    %mul3A_362 = arith.mulf %max3A_351, %mul3A_361 : vector<16xf32>
    %mul3A_363 = arith.mulf %mul3A_362, %bitcast3A_359 : vector<16xf32>
    %mul3A_364 = arith.mulf %mul3A_363, %bitcast3A_359 : vector<16xf32>
    %sub3A_365 = arith.constant 1.500000e+00 : f32
    %sub3A_366 = vector.broadcast %sub3A_365 : f32 to vector<16xf32>
    %sub3A_367 = arith.subf %sub3A_366, %mul3A_364 : vector<16xf32>
    %mul3A_368 = arith.mulf %bitcast3A_359, %sub3A_367 : vector<16xf32>
    %mul3A_369 = arith.mulf %mul3A_362, %mul3A_368 : vector<16xf32>
    %mul3A_370 = arith.mulf %mul3A_369, %mul3A_368 : vector<16xf32>
    %sub3A_371 = arith.constant 1.500000e+00 : f32
    %sub3A_372 = vector.broadcast %sub3A_371 : f32 to vector<16xf32>
    %sub3A_373 = arith.subf %sub3A_372, %mul3A_370 : vector<16xf32>
    %mul3A_374 = arith.mulf %mul3A_368, %sub3A_373 : vector<16xf32>
    %mul3A_375 = arith.mulf %mul3A_362, %mul3A_374 : vector<16xf32>
    %mul3A_376 = arith.mulf %mul3A_375, %mul3A_374 : vector<16xf32>
    %sub3A_377 = arith.constant 1.500000e+00 : f32
    %sub3A_378 = vector.broadcast %sub3A_377 : f32 to vector<16xf32>
    %sub3A_379 = arith.subf %sub3A_378, %mul3A_376 : vector<16xf32>
    %mul3A_380 = arith.mulf %mul3A_374, %sub3A_379 : vector<16xf32>
    %mul3A_381 = arith.mulf %max3A_351, %mul3A_380 : vector<16xf32>
    %add3A_382 = arith.addf %add3A_288, %mul3A_381 : vector<16xf32>
    %mul3A_383 = arith.mulf %add3A_314, %add3A_314 : vector<16xf32>
    %mul3A_384 = arith.mulf %add3A_320, %add3A_320 : vector<16xf32>
    %add3A_385 = arith.addf %mul3A_383, %mul3A_384 : vector<16xf32>
    %mul3A_386 = arith.mulf %add3A_326, %add3A_326 : vector<16xf32>
    %add3A_387 = arith.addf %add3A_385, %mul3A_386 : vector<16xf32>
    %mul3A_388 = arith.constant -2.000000e+00 : f32
    %mul3A_389 = vector.broadcast %mul3A_388 : f32 to vector<16xf32>
    %mul3A_390 = arith.mulf %mul3A_389, %add3A_314 : vector<16xf32>
    %mul3A_391 = arith.constant -2.000000e+00 : f32
    %mul3A_392 = vector.broadcast %mul3A_391 : f32 to vector<16xf32>
    %mul3A_393 = arith.mulf %mul3A_392, %add3A_320 : vector<16xf32>
    %mul3A_394 = arith.constant -2.000000e+00 : f32
    %mul3A_395 = vector.broadcast %mul3A_394 : f32 to vector<16xf32>
    %mul3A_396 = arith.mulf %mul3A_395, %add3A_326 : vector<16xf32>
    %get3A_397 = arith.constant 48 : index
    %get3A_398 = tpu.vector_load %arg10[%get3A_397] {strides = array<i32>} : memref<128xf32, #tpu.memory_space<vmem>>, vector<16xf32>,
    %get3A_399 = arith.constant 48 : index
    %get3A_400 = tpu.vector_load %arg11[%get3A_399] {strides = array<i32>} : memref<128xf32, #tpu.memory_space<vmem>>, vector<16xf32>,
    %get3A_401 = arith.constant 48 : index
    %get3A_402 = tpu.vector_load %arg12[%get3A_401] {strides = array<i32>} : memref<128xf32, #tpu.memory_space<vmem>>, vector<16xf32>,
    %mul3A_403 = arith.mulf %gather3A, %get3A_398 : vector<16xf32>
    %mul3A_404 = arith.mulf %gather3A_77, %get3A_400 : vector<16xf32>
    %add3A_405 = arith.addf %mul3A_403, %mul3A_404 : vector<16xf32>
    %mul3A_406 = arith.mulf %gather3A_80, %get3A_402 : vector<16xf32>
    %add3A_407 = arith.addf %add3A_405, %mul3A_406 : vector<16xf32>
    %add3A_408 = arith.addf %add3A_407, %gather3A_83 : vector<16xf32>
    %mul3A_409 = arith.mulf %gather3A_86, %get3A_398 : vector<16xf32>
    %mul3A_410 = arith.mulf %gather3A_89, %get3A_400 : vector<16xf32>
    %add3A_411 = arith.addf %mul3A_409, %mul3A_410 : vector<16xf32>
    %mul3A_412 = arith.mulf %gather3A_92, %get3A_402 : vector<16xf32>
    %add3A_413 = arith.addf %add3A_411, %mul3A_412 : vector<16xf32>
    %add3A_414 = arith.addf %add3A_413, %gather3A_95 : vector<16xf32>
    %mul3A_415 = arith.mulf %gather3A_98, %get3A_398 : vector<16xf32>
    %mul3A_416 = arith.mulf %gather3A_101, %get3A_400 : vector<16xf32>
    %add3A_417 = arith.addf %mul3A_415, %mul3A_416 : vector<16xf32>
    %mul3A_418 = arith.mulf %gather3A_104, %get3A_402 : vector<16xf32>
    %add3A_419 = arith.addf %add3A_417, %mul3A_418 : vector<16xf32>
    %add3A_420 = arith.addf %add3A_419, %gather3A_107 : vector<16xf32>
    %add3A_421 = arith.constant 48 : i32
    %add3A_422 = arith.addi %mul3A_32, %add3A_421 : i32
    %add3A_423 = arith.constant 16 : i32
    %add3A_424 = arith.addi %add3A_423, %add3A_422 : i32
    %get3A_425 = arith.index_cast %add3A_424 : i32 to index
    %get3A_426 = tpu.vector_load %arg7[%get3A_425] {strides = array<i32>} : memref<1040xf32, #tpu.memory_space<vmem>>, vector<16xf32>,
    %add3A_427 = arith.constant 16 : i32
    %add3A_428 = arith.addi %add3A_427, %add3A_422 : i32
    %get3A_429 = arith.index_cast %add3A_428 : i32 to index
    %get3A_430 = tpu.vector_load %arg8[%get3A_429] {strides = array<i32>} : memref<1040xf32, #tpu.memory_space<vmem>>, vector<16xf32>,
    %add3A_431 = arith.constant 16 : i32
    %add3A_432 = arith.addi %add3A_431, %add3A_422 : i32
    %get3A_433 = arith.index_cast %add3A_432 : i32 to index
    %get3A_434 = tpu.vector_load %arg9[%get3A_433] {strides = array<i32>} : memref<1040xf32, #tpu.memory_space<vmem>>, vector<16xf32>,
    %sub3A_435 = arith.subf %add3A_408, %get3A_426 : vector<16xf32>
    %sub3A_436 = arith.subf %add3A_414, %get3A_430 : vector<16xf32>
    %sub3A_437 = arith.subf %add3A_420, %get3A_434 : vector<16xf32>
    %mul3A_438 = arith.mulf %sub3A_435, %sub3A_435 : vector<16xf32>
    %mul3A_439 = arith.mulf %sub3A_436, %sub3A_436 : vector<16xf32>
    %add3A_440 = arith.addf %mul3A_438, %mul3A_439 : vector<16xf32>
    %mul3A_441 = arith.mulf %sub3A_437, %sub3A_437 : vector<16xf32>
    %add3A_442 = arith.addf %add3A_440, %mul3A_441 : vector<16xf32>
    %max3A_443 = arith.constant 9.99999996E-13 : f32
    %max3A_444 = vector.broadcast %max3A_443 : f32 to vector<16xf32>
    %max3A_445 = arith.maximumf %add3A_442, %max3A_444 : vector<16xf32>
    %bitcast3A_446 = vector.bitcast %max3A_445 : vector<16xf32> to vector<16xi32>
    %broadcast_in_dim3A_447 = arith.constant 1597463007 : i32
    %broadcast_in_dim3A_448 = vector.broadcast %broadcast_in_dim3A_447 : i32 to vector<16xi32>
    %shift_right_logical3A_449 = arith.constant 1 : i32
    %shift_right_logical3A_450 = vector.broadcast %shift_right_logical3A_449 : i32 to vector<16xi32>
    %shift_right_logical3A_451 = arith.shrui %bitcast3A_446, %shift_right_logical3A_450 : vector<16xi32>
    %sub3A_452 = arith.subi %broadcast_in_dim3A_448, %shift_right_logical3A_451 : vector<16xi32>
    %bitcast3A_453 = vector.bitcast %sub3A_452 : vector<16xi32> to vector<16xf32>
    %mul3A_454 = arith.constant 5.000000e-01 : f32
    %mul3A_455 = vector.broadcast %mul3A_454 : f32 to vector<16xf32>
    %mul3A_456 = arith.mulf %max3A_445, %mul3A_455 : vector<16xf32>
    %mul3A_457 = arith.mulf %mul3A_456, %bitcast3A_453 : vector<16xf32>
    %mul3A_458 = arith.mulf %mul3A_457, %bitcast3A_453 : vector<16xf32>
    %sub3A_459 = arith.constant 1.500000e+00 : f32
    %sub3A_460 = vector.broadcast %sub3A_459 : f32 to vector<16xf32>
    %sub3A_461 = arith.subf %sub3A_460, %mul3A_458 : vector<16xf32>
    %mul3A_462 = arith.mulf %bitcast3A_453, %sub3A_461 : vector<16xf32>
    %mul3A_463 = arith.mulf %mul3A_456, %mul3A_462 : vector<16xf32>
    %mul3A_464 = arith.mulf %mul3A_463, %mul3A_462 : vector<16xf32>
    %sub3A_465 = arith.constant 1.500000e+00 : f32
    %sub3A_466 = vector.broadcast %sub3A_465 : f32 to vector<16xf32>
    %sub3A_467 = arith.subf %sub3A_466, %mul3A_464 : vector<16xf32>
    %mul3A_468 = arith.mulf %mul3A_462, %sub3A_467 : vector<16xf32>
    %mul3A_469 = arith.mulf %mul3A_456, %mul3A_468 : vector<16xf32>
    %mul3A_470 = arith.mulf %mul3A_469, %mul3A_468 : vector<16xf32>
    %sub3A_471 = arith.constant 1.500000e+00 : f32
    %sub3A_472 = vector.broadcast %sub3A_471 : f32 to vector<16xf32>
    %sub3A_473 = arith.subf %sub3A_472, %mul3A_470 : vector<16xf32>
    %mul3A_474 = arith.mulf %mul3A_468, %sub3A_473 : vector<16xf32>
    %mul3A_475 = arith.mulf %max3A_445, %mul3A_474 : vector<16xf32>
    %add3A_476 = arith.addf %add3A_382, %mul3A_475 : vector<16xf32>
    %mul3A_477 = arith.mulf %add3A_408, %add3A_408 : vector<16xf32>
    %mul3A_478 = arith.mulf %add3A_414, %add3A_414 : vector<16xf32>
    %add3A_479 = arith.addf %mul3A_477, %mul3A_478 : vector<16xf32>
    %mul3A_480 = arith.mulf %add3A_420, %add3A_420 : vector<16xf32>
    %add3A_481 = arith.addf %add3A_479, %mul3A_480 : vector<16xf32>
    %mul3A_482 = arith.constant -2.000000e+00 : f32
    %mul3A_483 = vector.broadcast %mul3A_482 : f32 to vector<16xf32>
    %mul3A_484 = arith.mulf %mul3A_483, %add3A_408 : vector<16xf32>
    %mul3A_485 = arith.constant -2.000000e+00 : f32
    %mul3A_486 = vector.broadcast %mul3A_485 : f32 to vector<16xf32>
    %mul3A_487 = arith.mulf %mul3A_486, %add3A_414 : vector<16xf32>
    %mul3A_488 = arith.constant -2.000000e+00 : f32
    %mul3A_489 = vector.broadcast %mul3A_488 : f32 to vector<16xf32>
    %mul3A_490 = arith.mulf %mul3A_489, %add3A_420 : vector<16xf32>
    %get3A_491 = arith.constant 64 : index
    %get3A_492 = tpu.vector_load %arg10[%get3A_491] {strides = array<i32>} : memref<128xf32, #tpu.memory_space<vmem>>, vector<16xf32>,
    %get3A_493 = arith.constant 64 : index
    %get3A_494 = tpu.vector_load %arg11[%get3A_493] {strides = array<i32>} : memref<128xf32, #tpu.memory_space<vmem>>, vector<16xf32>,
    %get3A_495 = arith.constant 64 : index
    %get3A_496 = tpu.vector_load %arg12[%get3A_495] {strides = array<i32>} : memref<128xf32, #tpu.memory_space<vmem>>, vector<16xf32>,
    %mul3A_497 = arith.mulf %gather3A, %get3A_492 : vector<16xf32>
    %mul3A_498 = arith.mulf %gather3A_77, %get3A_494 : vector<16xf32>
    %add3A_499 = arith.addf %mul3A_497, %mul3A_498 : vector<16xf32>
    %mul3A_500 = arith.mulf %gather3A_80, %get3A_496 : vector<16xf32>
    %add3A_501 = arith.addf %add3A_499, %mul3A_500 : vector<16xf32>
    %add3A_502 = arith.addf %add3A_501, %gather3A_83 : vector<16xf32>
    %mul3A_503 = arith.mulf %gather3A_86, %get3A_492 : vector<16xf32>
    %mul3A_504 = arith.mulf %gather3A_89, %get3A_494 : vector<16xf32>
    %add3A_505 = arith.addf %mul3A_503, %mul3A_504 : vector<16xf32>
    %mul3A_506 = arith.mulf %gather3A_92, %get3A_496 : vector<16xf32>
    %add3A_507 = arith.addf %add3A_505, %mul3A_506 : vector<16xf32>
    %add3A_508 = arith.addf %add3A_507, %gather3A_95 : vector<16xf32>
    %mul3A_509 = arith.mulf %gather3A_98, %get3A_492 : vector<16xf32>
    %mul3A_510 = arith.mulf %gather3A_101, %get3A_494 : vector<16xf32>
    %add3A_511 = arith.addf %mul3A_509, %mul3A_510 : vector<16xf32>
    %mul3A_512 = arith.mulf %gather3A_104, %get3A_496 : vector<16xf32>
    %add3A_513 = arith.addf %add3A_511, %mul3A_512 : vector<16xf32>
    %add3A_514 = arith.addf %add3A_513, %gather3A_107 : vector<16xf32>
    %add3A_515 = arith.constant 64 : i32
    %add3A_516 = arith.addi %mul3A_32, %add3A_515 : i32
    %add3A_517 = arith.constant 16 : i32
    %add3A_518 = arith.addi %add3A_517, %add3A_516 : i32
    %get3A_519 = arith.index_cast %add3A_518 : i32 to index
    %get3A_520 = tpu.vector_load %arg7[%get3A_519] {strides = array<i32>} : memref<1040xf32, #tpu.memory_space<vmem>>, vector<16xf32>,
    %add3A_521 = arith.constant 16 : i32
    %add3A_522 = arith.addi %add3A_521, %add3A_516 : i32
    %get3A_523 = arith.index_cast %add3A_522 : i32 to index
    %get3A_524 = tpu.vector_load %arg8[%get3A_523] {strides = array<i32>} : memref<1040xf32, #tpu.memory_space<vmem>>, vector<16xf32>,
    %add3A_525 = arith.constant 16 : i32
    %add3A_526 = arith.addi %add3A_525, %add3A_516 : i32
    %get3A_527 = arith.index_cast %add3A_526 : i32 to index
    %get3A_528 = tpu.vector_load %arg9[%get3A_527] {strides = array<i32>} : memref<1040xf32, #tpu.memory_space<vmem>>, vector<16xf32>,
    %sub3A_529 = arith.subf %add3A_502, %get3A_520 : vector<16xf32>
    %sub3A_530 = arith.subf %add3A_508, %get3A_524 : vector<16xf32>
    %sub3A_531 = arith.subf %add3A_514, %get3A_528 : vector<16xf32>
    %mul3A_532 = arith.mulf %sub3A_529, %sub3A_529 : vector<16xf32>
    %mul3A_533 = arith.mulf %sub3A_530, %sub3A_530 : vector<16xf32>
    %add3A_534 = arith.addf %mul3A_532, %mul3A_533 : vector<16xf32>
    %mul3A_535 = arith.mulf %sub3A_531, %sub3A_531 : vector<16xf32>
    %add3A_536 = arith.addf %add3A_534, %mul3A_535 : vector<16xf32>
    %max3A_537 = arith.constant 9.99999996E-13 : f32
    %max3A_538 = vector.broadcast %max3A_537 : f32 to vector<16xf32>
    %max3A_539 = arith.maximumf %add3A_536, %max3A_538 : vector<16xf32>
    %bitcast3A_540 = vector.bitcast %max3A_539 : vector<16xf32> to vector<16xi32>
    %broadcast_in_dim3A_541 = arith.constant 1597463007 : i32
    %broadcast_in_dim3A_542 = vector.broadcast %broadcast_in_dim3A_541 : i32 to vector<16xi32>
    %shift_right_logical3A_543 = arith.constant 1 : i32
    %shift_right_logical3A_544 = vector.broadcast %shift_right_logical3A_543 : i32 to vector<16xi32>
    %shift_right_logical3A_545 = arith.shrui %bitcast3A_540, %shift_right_logical3A_544 : vector<16xi32>
    %sub3A_546 = arith.subi %broadcast_in_dim3A_542, %shift_right_logical3A_545 : vector<16xi32>
    %bitcast3A_547 = vector.bitcast %sub3A_546 : vector<16xi32> to vector<16xf32>
    %mul3A_548 = arith.constant 5.000000e-01 : f32
    %mul3A_549 = vector.broadcast %mul3A_548 : f32 to vector<16xf32>
    %mul3A_550 = arith.mulf %max3A_539, %mul3A_549 : vector<16xf32>
    %mul3A_551 = arith.mulf %mul3A_550, %bitcast3A_547 : vector<16xf32>
    %mul3A_552 = arith.mulf %mul3A_551, %bitcast3A_547 : vector<16xf32>
    %sub3A_553 = arith.constant 1.500000e+00 : f32
    %sub3A_554 = vector.broadcast %sub3A_553 : f32 to vector<16xf32>
    %sub3A_555 = arith.subf %sub3A_554, %mul3A_552 : vector<16xf32>
    %mul3A_556 = arith.mulf %bitcast3A_547, %sub3A_555 : vector<16xf32>
    %mul3A_557 = arith.mulf %mul3A_550, %mul3A_556 : vector<16xf32>
    %mul3A_558 = arith.mulf %mul3A_557, %mul3A_556 : vector<16xf32>
    %sub3A_559 = arith.constant 1.500000e+00 : f32
    %sub3A_560 = vector.broadcast %sub3A_559 : f32 to vector<16xf32>
    %sub3A_561 = arith.subf %sub3A_560, %mul3A_558 : vector<16xf32>
    %mul3A_562 = arith.mulf %mul3A_556, %sub3A_561 : vector<16xf32>
    %mul3A_563 = arith.mulf %mul3A_550, %mul3A_562 : vector<16xf32>
    %mul3A_564 = arith.mulf %mul3A_563, %mul3A_562 : vector<16xf32>
    %sub3A_565 = arith.constant 1.500000e+00 : f32
    %sub3A_566 = vector.broadcast %sub3A_565 : f32 to vector<16xf32>
    %sub3A_567 = arith.subf %sub3A_566, %mul3A_564 : vector<16xf32>
    %mul3A_568 = arith.mulf %mul3A_562, %sub3A_567 : vector<16xf32>
    %mul3A_569 = arith.mulf %max3A_539, %mul3A_568 : vector<16xf32>
    %add3A_570 = arith.addf %add3A_476, %mul3A_569 : vector<16xf32>
    %mul3A_571 = arith.mulf %add3A_502, %add3A_502 : vector<16xf32>
    %mul3A_572 = arith.mulf %add3A_508, %add3A_508 : vector<16xf32>
    %add3A_573 = arith.addf %mul3A_571, %mul3A_572 : vector<16xf32>
    %mul3A_574 = arith.mulf %add3A_514, %add3A_514 : vector<16xf32>
    %add3A_575 = arith.addf %add3A_573, %mul3A_574 : vector<16xf32>
    %mul3A_576 = arith.constant -2.000000e+00 : f32
    %mul3A_577 = vector.broadcast %mul3A_576 : f32 to vector<16xf32>
    %mul3A_578 = arith.mulf %mul3A_577, %add3A_502 : vector<16xf32>
    %mul3A_579 = arith.constant -2.000000e+00 : f32
    %mul3A_580 = vector.broadcast %mul3A_579 : f32 to vector<16xf32>
    %mul3A_581 = arith.mulf %mul3A_580, %add3A_508 : vector<16xf32>
    %mul3A_582 = arith.constant -2.000000e+00 : f32
    %mul3A_583 = vector.broadcast %mul3A_582 : f32 to vector<16xf32>
    %mul3A_584 = arith.mulf %mul3A_583, %add3A_514 : vector<16xf32>
    %get3A_585 = arith.constant 80 : index
    %get3A_586 = tpu.vector_load %arg10[%get3A_585] {strides = array<i32>} : memref<128xf32, #tpu.memory_space<vmem>>, vector<16xf32>,
    %get3A_587 = arith.constant 80 : index
    %get3A_588 = tpu.vector_load %arg11[%get3A_587] {strides = array<i32>} : memref<128xf32, #tpu.memory_space<vmem>>, vector<16xf32>,
    %get3A_589 = arith.constant 80 : index
    %get3A_590 = tpu.vector_load %arg12[%get3A_589] {strides = array<i32>} : memref<128xf32, #tpu.memory_space<vmem>>, vector<16xf32>,
    %mul3A_591 = arith.mulf %gather3A, %get3A_586 : vector<16xf32>
    %mul3A_592 = arith.mulf %gather3A_77, %get3A_588 : vector<16xf32>
    %add3A_593 = arith.addf %mul3A_591, %mul3A_592 : vector<16xf32>
    %mul3A_594 = arith.mulf %gather3A_80, %get3A_590 : vector<16xf32>
    %add3A_595 = arith.addf %add3A_593, %mul3A_594 : vector<16xf32>
    %add3A_596 = arith.addf %add3A_595, %gather3A_83 : vector<16xf32>
    %mul3A_597 = arith.mulf %gather3A_86, %get3A_586 : vector<16xf32>
    %mul3A_598 = arith.mulf %gather3A_89, %get3A_588 : vector<16xf32>
    %add3A_599 = arith.addf %mul3A_597, %mul3A_598 : vector<16xf32>
    %mul3A_600 = arith.mulf %gather3A_92, %get3A_590 : vector<16xf32>
    %add3A_601 = arith.addf %add3A_599, %mul3A_600 : vector<16xf32>
    %add3A_602 = arith.addf %add3A_601, %gather3A_95 : vector<16xf32>
    %mul3A_603 = arith.mulf %gather3A_98, %get3A_586 : vector<16xf32>
    %mul3A_604 = arith.mulf %gather3A_101, %get3A_588 : vector<16xf32>
    %add3A_605 = arith.addf %mul3A_603, %mul3A_604 : vector<16xf32>
    %mul3A_606 = arith.mulf %gather3A_104, %get3A_590 : vector<16xf32>
    %add3A_607 = arith.addf %add3A_605, %mul3A_606 : vector<16xf32>
    %add3A_608 = arith.addf %add3A_607, %gather3A_107 : vector<16xf32>
    %add3A_609 = arith.constant 80 : i32
    %add3A_610 = arith.addi %mul3A_32, %add3A_609 : i32
    %add3A_611 = arith.constant 16 : i32
    %add3A_612 = arith.addi %add3A_611, %add3A_610 : i32
    %get3A_613 = arith.index_cast %add3A_612 : i32 to index
    %get3A_614 = tpu.vector_load %arg7[%get3A_613] {strides = array<i32>} : memref<1040xf32, #tpu.memory_space<vmem>>, vector<16xf32>,
    %add3A_615 = arith.constant 16 : i32
    %add3A_616 = arith.addi %add3A_615, %add3A_610 : i32
    %get3A_617 = arith.index_cast %add3A_616 : i32 to index
    %get3A_618 = tpu.vector_load %arg8[%get3A_617] {strides = array<i32>} : memref<1040xf32, #tpu.memory_space<vmem>>, vector<16xf32>,
    %add3A_619 = arith.constant 16 : i32
    %add3A_620 = arith.addi %add3A_619, %add3A_610 : i32
    %get3A_621 = arith.index_cast %add3A_620 : i32 to index
    %get3A_622 = tpu.vector_load %arg9[%get3A_621] {strides = array<i32>} : memref<1040xf32, #tpu.memory_space<vmem>>, vector<16xf32>,
    %sub3A_623 = arith.subf %add3A_596, %get3A_614 : vector<16xf32>
    %sub3A_624 = arith.subf %add3A_602, %get3A_618 : vector<16xf32>
    %sub3A_625 = arith.subf %add3A_608, %get3A_622 : vector<16xf32>
    %mul3A_626 = arith.mulf %sub3A_623, %sub3A_623 : vector<16xf32>
    %mul3A_627 = arith.mulf %sub3A_624, %sub3A_624 : vector<16xf32>
    %add3A_628 = arith.addf %mul3A_626, %mul3A_627 : vector<16xf32>
    %mul3A_629 = arith.mulf %sub3A_625, %sub3A_625 : vector<16xf32>
    %add3A_630 = arith.addf %add3A_628, %mul3A_629 : vector<16xf32>
    %max3A_631 = arith.constant 9.99999996E-13 : f32
    %max3A_632 = vector.broadcast %max3A_631 : f32 to vector<16xf32>
    %max3A_633 = arith.maximumf %add3A_630, %max3A_632 : vector<16xf32>
    %bitcast3A_634 = vector.bitcast %max3A_633 : vector<16xf32> to vector<16xi32>
    %broadcast_in_dim3A_635 = arith.constant 1597463007 : i32
    %broadcast_in_dim3A_636 = vector.broadcast %broadcast_in_dim3A_635 : i32 to vector<16xi32>
    %shift_right_logical3A_637 = arith.constant 1 : i32
    %shift_right_logical3A_638 = vector.broadcast %shift_right_logical3A_637 : i32 to vector<16xi32>
    %shift_right_logical3A_639 = arith.shrui %bitcast3A_634, %shift_right_logical3A_638 : vector<16xi32>
    %sub3A_640 = arith.subi %broadcast_in_dim3A_636, %shift_right_logical3A_639 : vector<16xi32>
    %bitcast3A_641 = vector.bitcast %sub3A_640 : vector<16xi32> to vector<16xf32>
    %mul3A_642 = arith.constant 5.000000e-01 : f32
    %mul3A_643 = vector.broadcast %mul3A_642 : f32 to vector<16xf32>
    %mul3A_644 = arith.mulf %max3A_633, %mul3A_643 : vector<16xf32>
    %mul3A_645 = arith.mulf %mul3A_644, %bitcast3A_641 : vector<16xf32>
    %mul3A_646 = arith.mulf %mul3A_645, %bitcast3A_641 : vector<16xf32>
    %sub3A_647 = arith.constant 1.500000e+00 : f32
    %sub3A_648 = vector.broadcast %sub3A_647 : f32 to vector<16xf32>
    %sub3A_649 = arith.subf %sub3A_648, %mul3A_646 : vector<16xf32>
    %mul3A_650 = arith.mulf %bitcast3A_641, %sub3A_649 : vector<16xf32>
    %mul3A_651 = arith.mulf %mul3A_644, %mul3A_650 : vector<16xf32>
    %mul3A_652 = arith.mulf %mul3A_651, %mul3A_650 : vector<16xf32>
    %sub3A_653 = arith.constant 1.500000e+00 : f32
    %sub3A_654 = vector.broadcast %sub3A_653 : f32 to vector<16xf32>
    %sub3A_655 = arith.subf %sub3A_654, %mul3A_652 : vector<16xf32>
    %mul3A_656 = arith.mulf %mul3A_650, %sub3A_655 : vector<16xf32>
    %mul3A_657 = arith.mulf %mul3A_644, %mul3A_656 : vector<16xf32>
    %mul3A_658 = arith.mulf %mul3A_657, %mul3A_656 : vector<16xf32>
    %sub3A_659 = arith.constant 1.500000e+00 : f32
    %sub3A_660 = vector.broadcast %sub3A_659 : f32 to vector<16xf32>
    %sub3A_661 = arith.subf %sub3A_660, %mul3A_658 : vector<16xf32>
    %mul3A_662 = arith.mulf %mul3A_656, %sub3A_661 : vector<16xf32>
    %mul3A_663 = arith.mulf %max3A_633, %mul3A_662 : vector<16xf32>
    %add3A_664 = arith.addf %add3A_570, %mul3A_663 : vector<16xf32>
    %mul3A_665 = arith.mulf %add3A_596, %add3A_596 : vector<16xf32>
    %mul3A_666 = arith.mulf %add3A_602, %add3A_602 : vector<16xf32>
    %add3A_667 = arith.addf %mul3A_665, %mul3A_666 : vector<16xf32>
    %mul3A_668 = arith.mulf %add3A_608, %add3A_608 : vector<16xf32>
    %add3A_669 = arith.addf %add3A_667, %mul3A_668 : vector<16xf32>
    %mul3A_670 = arith.constant -2.000000e+00 : f32
    %mul3A_671 = vector.broadcast %mul3A_670 : f32 to vector<16xf32>
    %mul3A_672 = arith.mulf %mul3A_671, %add3A_596 : vector<16xf32>
    %mul3A_673 = arith.constant -2.000000e+00 : f32
    %mul3A_674 = vector.broadcast %mul3A_673 : f32 to vector<16xf32>
    %mul3A_675 = arith.mulf %mul3A_674, %add3A_602 : vector<16xf32>
    %mul3A_676 = arith.constant -2.000000e+00 : f32
    %mul3A_677 = vector.broadcast %mul3A_676 : f32 to vector<16xf32>
    %mul3A_678 = arith.mulf %mul3A_677, %add3A_608 : vector<16xf32>
    %get3A_679 = arith.constant 96 : index
    %get3A_680 = tpu.vector_load %arg10[%get3A_679] {strides = array<i32>} : memref<128xf32, #tpu.memory_space<vmem>>, vector<16xf32>,
    %get3A_681 = arith.constant 96 : index
    %get3A_682 = tpu.vector_load %arg11[%get3A_681] {strides = array<i32>} : memref<128xf32, #tpu.memory_space<vmem>>, vector<16xf32>,
    %get3A_683 = arith.constant 96 : index
    %get3A_684 = tpu.vector_load %arg12[%get3A_683] {strides = array<i32>} : memref<128xf32, #tpu.memory_space<vmem>>, vector<16xf32>,
    %mul3A_685 = arith.mulf %gather3A, %get3A_680 : vector<16xf32>
    %mul3A_686 = arith.mulf %gather3A_77, %get3A_682 : vector<16xf32>
    %add3A_687 = arith.addf %mul3A_685, %mul3A_686 : vector<16xf32>
    %mul3A_688 = arith.mulf %gather3A_80, %get3A_684 : vector<16xf32>
    %add3A_689 = arith.addf %add3A_687, %mul3A_688 : vector<16xf32>
    %add3A_690 = arith.addf %add3A_689, %gather3A_83 : vector<16xf32>
    %mul3A_691 = arith.mulf %gather3A_86, %get3A_680 : vector<16xf32>
    %mul3A_692 = arith.mulf %gather3A_89, %get3A_682 : vector<16xf32>
    %add3A_693 = arith.addf %mul3A_691, %mul3A_692 : vector<16xf32>
    %mul3A_694 = arith.mulf %gather3A_92, %get3A_684 : vector<16xf32>
    %add3A_695 = arith.addf %add3A_693, %mul3A_694 : vector<16xf32>
    %add3A_696 = arith.addf %add3A_695, %gather3A_95 : vector<16xf32>
    %mul3A_697 = arith.mulf %gather3A_98, %get3A_680 : vector<16xf32>
    %mul3A_698 = arith.mulf %gather3A_101, %get3A_682 : vector<16xf32>
    %add3A_699 = arith.addf %mul3A_697, %mul3A_698 : vector<16xf32>
    %mul3A_700 = arith.mulf %gather3A_104, %get3A_684 : vector<16xf32>
    %add3A_701 = arith.addf %add3A_699, %mul3A_700 : vector<16xf32>
    %add3A_702 = arith.addf %add3A_701, %gather3A_107 : vector<16xf32>
    %add3A_703 = arith.constant 96 : i32
    %add3A_704 = arith.addi %mul3A_32, %add3A_703 : i32
    %add3A_705 = arith.constant 16 : i32
    %add3A_706 = arith.addi %add3A_705, %add3A_704 : i32
    %get3A_707 = arith.index_cast %add3A_706 : i32 to index
    %get3A_708 = tpu.vector_load %arg7[%get3A_707] {strides = array<i32>} : memref<1040xf32, #tpu.memory_space<vmem>>, vector<16xf32>,
    %add3A_709 = arith.constant 16 : i32
    %add3A_710 = arith.addi %add3A_709, %add3A_704 : i32
    %get3A_711 = arith.index_cast %add3A_710 : i32 to index
    %get3A_712 = tpu.vector_load %arg8[%get3A_711] {strides = array<i32>} : memref<1040xf32, #tpu.memory_space<vmem>>, vector<16xf32>,
    %add3A_713 = arith.constant 16 : i32
    %add3A_714 = arith.addi %add3A_713, %add3A_704 : i32
    %get3A_715 = arith.index_cast %add3A_714 : i32 to index
    %get3A_716 = tpu.vector_load %arg9[%get3A_715] {strides = array<i32>} : memref<1040xf32, #tpu.memory_space<vmem>>, vector<16xf32>,
    %sub3A_717 = arith.subf %add3A_690, %get3A_708 : vector<16xf32>
    %sub3A_718 = arith.subf %add3A_696, %get3A_712 : vector<16xf32>
    %sub3A_719 = arith.subf %add3A_702, %get3A_716 : vector<16xf32>
    %mul3A_720 = arith.mulf %sub3A_717, %sub3A_717 : vector<16xf32>
    %mul3A_721 = arith.mulf %sub3A_718, %sub3A_718 : vector<16xf32>
    %add3A_722 = arith.addf %mul3A_720, %mul3A_721 : vector<16xf32>
    %mul3A_723 = arith.mulf %sub3A_719, %sub3A_719 : vector<16xf32>
    %add3A_724 = arith.addf %add3A_722, %mul3A_723 : vector<16xf32>
    %max3A_725 = arith.constant 9.99999996E-13 : f32
    %max3A_726 = vector.broadcast %max3A_725 : f32 to vector<16xf32>
    %max3A_727 = arith.maximumf %add3A_724, %max3A_726 : vector<16xf32>
    %bitcast3A_728 = vector.bitcast %max3A_727 : vector<16xf32> to vector<16xi32>
    %broadcast_in_dim3A_729 = arith.constant 1597463007 : i32
    %broadcast_in_dim3A_730 = vector.broadcast %broadcast_in_dim3A_729 : i32 to vector<16xi32>
    %shift_right_logical3A_731 = arith.constant 1 : i32
    %shift_right_logical3A_732 = vector.broadcast %shift_right_logical3A_731 : i32 to vector<16xi32>
    %shift_right_logical3A_733 = arith.shrui %bitcast3A_728, %shift_right_logical3A_732 : vector<16xi32>
    %sub3A_734 = arith.subi %broadcast_in_dim3A_730, %shift_right_logical3A_733 : vector<16xi32>
    %bitcast3A_735 = vector.bitcast %sub3A_734 : vector<16xi32> to vector<16xf32>
    %mul3A_736 = arith.constant 5.000000e-01 : f32
    %mul3A_737 = vector.broadcast %mul3A_736 : f32 to vector<16xf32>
    %mul3A_738 = arith.mulf %max3A_727, %mul3A_737 : vector<16xf32>
    %mul3A_739 = arith.mulf %mul3A_738, %bitcast3A_735 : vector<16xf32>
    %mul3A_740 = arith.mulf %mul3A_739, %bitcast3A_735 : vector<16xf32>
    %sub3A_741 = arith.constant 1.500000e+00 : f32
    %sub3A_742 = vector.broadcast %sub3A_741 : f32 to vector<16xf32>
    %sub3A_743 = arith.subf %sub3A_742, %mul3A_740 : vector<16xf32>
    %mul3A_744 = arith.mulf %bitcast3A_735, %sub3A_743 : vector<16xf32>
    %mul3A_745 = arith.mulf %mul3A_738, %mul3A_744 : vector<16xf32>
    %mul3A_746 = arith.mulf %mul3A_745, %mul3A_744 : vector<16xf32>
    %sub3A_747 = arith.constant 1.500000e+00 : f32
    %sub3A_748 = vector.broadcast %sub3A_747 : f32 to vector<16xf32>
    %sub3A_749 = arith.subf %sub3A_748, %mul3A_746 : vector<16xf32>
    %mul3A_750 = arith.mulf %mul3A_744, %sub3A_749 : vector<16xf32>
    %mul3A_751 = arith.mulf %mul3A_738, %mul3A_750 : vector<16xf32>
    %mul3A_752 = arith.mulf %mul3A_751, %mul3A_750 : vector<16xf32>
    %sub3A_753 = arith.constant 1.500000e+00 : f32
    %sub3A_754 = vector.broadcast %sub3A_753 : f32 to vector<16xf32>
    %sub3A_755 = arith.subf %sub3A_754, %mul3A_752 : vector<16xf32>
    %mul3A_756 = arith.mulf %mul3A_750, %sub3A_755 : vector<16xf32>
    %mul3A_757 = arith.mulf %max3A_727, %mul3A_756 : vector<16xf32>
    %add3A_758 = arith.addf %add3A_664, %mul3A_757 : vector<16xf32>
    %mul3A_759 = arith.mulf %add3A_690, %add3A_690 : vector<16xf32>
    %mul3A_760 = arith.mulf %add3A_696, %add3A_696 : vector<16xf32>
    %add3A_761 = arith.addf %mul3A_759, %mul3A_760 : vector<16xf32>
    %mul3A_762 = arith.mulf %add3A_702, %add3A_702 : vector<16xf32>
    %add3A_763 = arith.addf %add3A_761, %mul3A_762 : vector<16xf32>
    %mul3A_764 = arith.constant -2.000000e+00 : f32
    %mul3A_765 = vector.broadcast %mul3A_764 : f32 to vector<16xf32>
    %mul3A_766 = arith.mulf %mul3A_765, %add3A_690 : vector<16xf32>
    %mul3A_767 = arith.constant -2.000000e+00 : f32
    %mul3A_768 = vector.broadcast %mul3A_767 : f32 to vector<16xf32>
    %mul3A_769 = arith.mulf %mul3A_768, %add3A_696 : vector<16xf32>
    %mul3A_770 = arith.constant -2.000000e+00 : f32
    %mul3A_771 = vector.broadcast %mul3A_770 : f32 to vector<16xf32>
    %mul3A_772 = arith.mulf %mul3A_771, %add3A_702 : vector<16xf32>
    %get3A_773 = arith.constant 112 : index
    %get3A_774 = tpu.vector_load %arg10[%get3A_773] {strides = array<i32>} : memref<128xf32, #tpu.memory_space<vmem>>, vector<16xf32>,
    %get3A_775 = arith.constant 112 : index
    %get3A_776 = tpu.vector_load %arg11[%get3A_775] {strides = array<i32>} : memref<128xf32, #tpu.memory_space<vmem>>, vector<16xf32>,
    %get3A_777 = arith.constant 112 : index
    %get3A_778 = tpu.vector_load %arg12[%get3A_777] {strides = array<i32>} : memref<128xf32, #tpu.memory_space<vmem>>, vector<16xf32>,
    %mul3A_779 = arith.mulf %gather3A, %get3A_774 : vector<16xf32>
    %mul3A_780 = arith.mulf %gather3A_77, %get3A_776 : vector<16xf32>
    %add3A_781 = arith.addf %mul3A_779, %mul3A_780 : vector<16xf32>
    %mul3A_782 = arith.mulf %gather3A_80, %get3A_778 : vector<16xf32>
    %add3A_783 = arith.addf %add3A_781, %mul3A_782 : vector<16xf32>
    %add3A_784 = arith.addf %add3A_783, %gather3A_83 : vector<16xf32>
    %mul3A_785 = arith.mulf %gather3A_86, %get3A_774 : vector<16xf32>
    %mul3A_786 = arith.mulf %gather3A_89, %get3A_776 : vector<16xf32>
    %add3A_787 = arith.addf %mul3A_785, %mul3A_786 : vector<16xf32>
    %mul3A_788 = arith.mulf %gather3A_92, %get3A_778 : vector<16xf32>
    %add3A_789 = arith.addf %add3A_787, %mul3A_788 : vector<16xf32>
    %add3A_790 = arith.addf %add3A_789, %gather3A_95 : vector<16xf32>
    %mul3A_791 = arith.mulf %gather3A_98, %get3A_774 : vector<16xf32>
    %mul3A_792 = arith.mulf %gather3A_101, %get3A_776 : vector<16xf32>
    %add3A_793 = arith.addf %mul3A_791, %mul3A_792 : vector<16xf32>
    %mul3A_794 = arith.mulf %gather3A_104, %get3A_778 : vector<16xf32>
    %add3A_795 = arith.addf %add3A_793, %mul3A_794 : vector<16xf32>
    %add3A_796 = arith.addf %add3A_795, %gather3A_107 : vector<16xf32>
    %add3A_797 = arith.constant 112 : i32
    %add3A_798 = arith.addi %mul3A_32, %add3A_797 : i32
    %add3A_799 = arith.constant 16 : i32
    %add3A_800 = arith.addi %add3A_799, %add3A_798 : i32
    %get3A_801 = arith.index_cast %add3A_800 : i32 to index
    %get3A_802 = tpu.vector_load %arg7[%get3A_801] {strides = array<i32>} : memref<1040xf32, #tpu.memory_space<vmem>>, vector<16xf32>,
    %add3A_803 = arith.constant 16 : i32
    %add3A_804 = arith.addi %add3A_803, %add3A_798 : i32
    %get3A_805 = arith.index_cast %add3A_804 : i32 to index
    %get3A_806 = tpu.vector_load %arg8[%get3A_805] {strides = array<i32>} : memref<1040xf32, #tpu.memory_space<vmem>>, vector<16xf32>,
    %add3A_807 = arith.constant 16 : i32
    %add3A_808 = arith.addi %add3A_807, %add3A_798 : i32
    %get3A_809 = arith.index_cast %add3A_808 : i32 to index
    %get3A_810 = tpu.vector_load %arg9[%get3A_809] {strides = array<i32>} : memref<1040xf32, #tpu.memory_space<vmem>>, vector<16xf32>,
    %sub3A_811 = arith.subf %add3A_784, %get3A_802 : vector<16xf32>
    %sub3A_812 = arith.subf %add3A_790, %get3A_806 : vector<16xf32>
    %sub3A_813 = arith.subf %add3A_796, %get3A_810 : vector<16xf32>
    %mul3A_814 = arith.mulf %sub3A_811, %sub3A_811 : vector<16xf32>
    %mul3A_815 = arith.mulf %sub3A_812, %sub3A_812 : vector<16xf32>
    %add3A_816 = arith.addf %mul3A_814, %mul3A_815 : vector<16xf32>
    %mul3A_817 = arith.mulf %sub3A_813, %sub3A_813 : vector<16xf32>
    %add3A_818 = arith.addf %add3A_816, %mul3A_817 : vector<16xf32>
    %max3A_819 = arith.constant 9.99999996E-13 : f32
    %max3A_820 = vector.broadcast %max3A_819 : f32 to vector<16xf32>
    %max3A_821 = arith.maximumf %add3A_818, %max3A_820 : vector<16xf32>
    %bitcast3A_822 = vector.bitcast %max3A_821 : vector<16xf32> to vector<16xi32>
    %broadcast_in_dim3A_823 = arith.constant 1597463007 : i32
    %broadcast_in_dim3A_824 = vector.broadcast %broadcast_in_dim3A_823 : i32 to vector<16xi32>
    %shift_right_logical3A_825 = arith.constant 1 : i32
    %shift_right_logical3A_826 = vector.broadcast %shift_right_logical3A_825 : i32 to vector<16xi32>
    %shift_right_logical3A_827 = arith.shrui %bitcast3A_822, %shift_right_logical3A_826 : vector<16xi32>
    %sub3A_828 = arith.subi %broadcast_in_dim3A_824, %shift_right_logical3A_827 : vector<16xi32>
    %bitcast3A_829 = vector.bitcast %sub3A_828 : vector<16xi32> to vector<16xf32>
    %mul3A_830 = arith.constant 5.000000e-01 : f32
    %mul3A_831 = vector.broadcast %mul3A_830 : f32 to vector<16xf32>
    %mul3A_832 = arith.mulf %max3A_821, %mul3A_831 : vector<16xf32>
    %mul3A_833 = arith.mulf %mul3A_832, %bitcast3A_829 : vector<16xf32>
    %mul3A_834 = arith.mulf %mul3A_833, %bitcast3A_829 : vector<16xf32>
    %sub3A_835 = arith.constant 1.500000e+00 : f32
    %sub3A_836 = vector.broadcast %sub3A_835 : f32 to vector<16xf32>
    %sub3A_837 = arith.subf %sub3A_836, %mul3A_834 : vector<16xf32>
    %mul3A_838 = arith.mulf %bitcast3A_829, %sub3A_837 : vector<16xf32>
    %mul3A_839 = arith.mulf %mul3A_832, %mul3A_838 : vector<16xf32>
    %mul3A_840 = arith.mulf %mul3A_839, %mul3A_838 : vector<16xf32>
    %sub3A_841 = arith.constant 1.500000e+00 : f32
    %sub3A_842 = vector.broadcast %sub3A_841 : f32 to vector<16xf32>
    %sub3A_843 = arith.subf %sub3A_842, %mul3A_840 : vector<16xf32>
    %mul3A_844 = arith.mulf %mul3A_838, %sub3A_843 : vector<16xf32>
    %mul3A_845 = arith.mulf %mul3A_832, %mul3A_844 : vector<16xf32>
    %mul3A_846 = arith.mulf %mul3A_845, %mul3A_844 : vector<16xf32>
    %sub3A_847 = arith.constant 1.500000e+00 : f32
    %sub3A_848 = vector.broadcast %sub3A_847 : f32 to vector<16xf32>
    %sub3A_849 = arith.subf %sub3A_848, %mul3A_846 : vector<16xf32>
    %mul3A_850 = arith.mulf %mul3A_844, %sub3A_849 : vector<16xf32>
    %mul3A_851 = arith.mulf %max3A_821, %mul3A_850 : vector<16xf32>
    %add3A_852 = arith.addf %add3A_758, %mul3A_851 : vector<16xf32>
    %mul3A_853 = arith.mulf %add3A_784, %add3A_784 : vector<16xf32>
    %mul3A_854 = arith.mulf %add3A_790, %add3A_790 : vector<16xf32>
    %add3A_855 = arith.addf %mul3A_853, %mul3A_854 : vector<16xf32>
    %mul3A_856 = arith.mulf %add3A_796, %add3A_796 : vector<16xf32>
    %add3A_857 = arith.addf %add3A_855, %mul3A_856 : vector<16xf32>
    %mul3A_858 = arith.constant -2.000000e+00 : f32
    %mul3A_859 = vector.broadcast %mul3A_858 : f32 to vector<16xf32>
    %mul3A_860 = arith.mulf %mul3A_859, %add3A_784 : vector<16xf32>
    %mul3A_861 = arith.constant -2.000000e+00 : f32
    %mul3A_862 = vector.broadcast %mul3A_861 : f32 to vector<16xf32>
    %mul3A_863 = arith.mulf %mul3A_862, %add3A_790 : vector<16xf32>
    %mul3A_864 = arith.constant -2.000000e+00 : f32
    %mul3A_865 = vector.broadcast %mul3A_864 : f32 to vector<16xf32>
    %mul3A_866 = arith.mulf %mul3A_865, %add3A_796 : vector<16xf32>
    %scan3A_867 = arith.constant 0 : i32
    %scan3A_868 = arith.constant 512 : i32
    %scan3A_869 = arith.addi %scan3A_867, %scan3A_868 : i32
    %scan3A_870 = arith.constant 1 : i32
    %scan3A_871:8 = scf.for %scan3A_1160 = %scan3A_867 to %scan3A_869 step %scan3A_870 iter_args(%scan3A_1161 = %broadcast_in_dim3A_114, %scan3A_1162 = %broadcast_in_dim3A_114, %scan3A_1163 = %broadcast_in_dim3A_114, %scan3A_1164 = %broadcast_in_dim3A_114, %scan3A_1165 = %broadcast_in_dim3A_114, %scan3A_1166 = %broadcast_in_dim3A_114, %scan3A_1167 = %broadcast_in_dim3A_114, %scan3A_1168 = %broadcast_in_dim3A_114) -> (vector<16xf32>, vector<16xf32>, vector<16xf32>, vector<16xf32>, vector<16xf32>, vector<16xf32>, vector<16xf32>, vector<16xf32>)  : i32 {
      %mul3A_1169 = arith.constant 2 : i32
      %mul3A_1170 = arith.muli %scan3A_1160, %mul3A_1169 : i32
      %add3A_1171 = arith.constant 0 : i32
      %add3A_1172 = arith.addi %mul3A_1170, %add3A_1171 : i32
      %add3A_1173 = arith.constant 16 : i32
      %add3A_1174 = arith.addi %add3A_1173, %add3A_1172 : i32
      %broadcast_in_dim3A_1175 = vector.broadcast %add3A_1174 : i32 to vector<16xi32>
      %gather3A_1176 = tpu.vector_load_idx %arg7[%broadcast_in_dim3A_1175] : memref<1040xf32, #tpu.memory_space<vmem>>[vector<16xi32>], vector<16xf32>,
      %gather3A_1177 = tpu.vector_load_idx %arg8[%broadcast_in_dim3A_1175] : memref<1040xf32, #tpu.memory_space<vmem>>[vector<16xi32>], vector<16xf32>,
      %gather3A_1178 = tpu.vector_load_idx %arg9[%broadcast_in_dim3A_1175] : memref<1040xf32, #tpu.memory_space<vmem>>[vector<16xi32>], vector<16xf32>,
      %gather3A_1179 = tpu.vector_load_idx %arg14[%broadcast_in_dim3A_1175] : memref<1040xf32, #tpu.memory_space<vmem>>[vector<16xi32>], vector<16xf32>,
      %mul3A_1180 = arith.mulf %mul3A_202, %gather3A_1176 : vector<16xf32>
      %add3A_1181 = arith.addf %gather3A_1179, %mul3A_1180 : vector<16xf32>
      %mul3A_1182 = arith.mulf %mul3A_205, %gather3A_1177 : vector<16xf32>
      %add3A_1183 = arith.addf %add3A_1181, %mul3A_1182 : vector<16xf32>
      %mul3A_1184 = arith.mulf %mul3A_208, %gather3A_1178 : vector<16xf32>
      %add3A_1185 = arith.addf %add3A_1183, %mul3A_1184 : vector<16xf32>
      %min3A = arith.minimumf %scan3A_1161, %add3A_1185 : vector<16xf32>
      %mul3A_1186 = arith.mulf %mul3A_296, %gather3A_1176 : vector<16xf32>
      %add3A_1187 = arith.addf %gather3A_1179, %mul3A_1186 : vector<16xf32>
      %mul3A_1188 = arith.mulf %mul3A_299, %gather3A_1177 : vector<16xf32>
      %add3A_1189 = arith.addf %add3A_1187, %mul3A_1188 : vector<16xf32>
      %mul3A_1190 = arith.mulf %mul3A_302, %gather3A_1178 : vector<16xf32>
      %add3A_1191 = arith.addf %add3A_1189, %mul3A_1190 : vector<16xf32>
      %min3A_1192 = arith.minimumf %scan3A_1162, %add3A_1191 : vector<16xf32>
      %mul3A_1193 = arith.mulf %mul3A_390, %gather3A_1176 : vector<16xf32>
      %add3A_1194 = arith.addf %gather3A_1179, %mul3A_1193 : vector<16xf32>
      %mul3A_1195 = arith.mulf %mul3A_393, %gather3A_1177 : vector<16xf32>
      %add3A_1196 = arith.addf %add3A_1194, %mul3A_1195 : vector<16xf32>
      %mul3A_1197 = arith.mulf %mul3A_396, %gather3A_1178 : vector<16xf32>
      %add3A_1198 = arith.addf %add3A_1196, %mul3A_1197 : vector<16xf32>
      %min3A_1199 = arith.minimumf %scan3A_1163, %add3A_1198 : vector<16xf32>
      %mul3A_1200 = arith.mulf %mul3A_484, %gather3A_1176 : vector<16xf32>
      %add3A_1201 = arith.addf %gather3A_1179, %mul3A_1200 : vector<16xf32>
      %mul3A_1202 = arith.mulf %mul3A_487, %gather3A_1177 : vector<16xf32>
      %add3A_1203 = arith.addf %add3A_1201, %mul3A_1202 : vector<16xf32>
      %mul3A_1204 = arith.mulf %mul3A_490, %gather3A_1178 : vector<16xf32>
      %add3A_1205 = arith.addf %add3A_1203, %mul3A_1204 : vector<16xf32>
      %min3A_1206 = arith.minimumf %scan3A_1164, %add3A_1205 : vector<16xf32>
      %mul3A_1207 = arith.mulf %mul3A_578, %gather3A_1176 : vector<16xf32>
      %add3A_1208 = arith.addf %gather3A_1179, %mul3A_1207 : vector<16xf32>
      %mul3A_1209 = arith.mulf %mul3A_581, %gather3A_1177 : vector<16xf32>
      %add3A_1210 = arith.addf %add3A_1208, %mul3A_1209 : vector<16xf32>
      %mul3A_1211 = arith.mulf %mul3A_584, %gather3A_1178 : vector<16xf32>
      %add3A_1212 = arith.addf %add3A_1210, %mul3A_1211 : vector<16xf32>
      %min3A_1213 = arith.minimumf %scan3A_1165, %add3A_1212 : vector<16xf32>
      %mul3A_1214 = arith.mulf %mul3A_672, %gather3A_1176 : vector<16xf32>
      %add3A_1215 = arith.addf %gather3A_1179, %mul3A_1214 : vector<16xf32>
      %mul3A_1216 = arith.mulf %mul3A_675, %gather3A_1177 : vector<16xf32>
      %add3A_1217 = arith.addf %add3A_1215, %mul3A_1216 : vector<16xf32>
      %mul3A_1218 = arith.mulf %mul3A_678, %gather3A_1178 : vector<16xf32>
      %add3A_1219 = arith.addf %add3A_1217, %mul3A_1218 : vector<16xf32>
      %min3A_1220 = arith.minimumf %scan3A_1166, %add3A_1219 : vector<16xf32>
      %mul3A_1221 = arith.mulf %mul3A_766, %gather3A_1176 : vector<16xf32>
      %add3A_1222 = arith.addf %gather3A_1179, %mul3A_1221 : vector<16xf32>
      %mul3A_1223 = arith.mulf %mul3A_769, %gather3A_1177 : vector<16xf32>
      %add3A_1224 = arith.addf %add3A_1222, %mul3A_1223 : vector<16xf32>
      %mul3A_1225 = arith.mulf %mul3A_772, %gather3A_1178 : vector<16xf32>
      %add3A_1226 = arith.addf %add3A_1224, %mul3A_1225 : vector<16xf32>
      %min3A_1227 = arith.minimumf %scan3A_1167, %add3A_1226 : vector<16xf32>
      %mul3A_1228 = arith.mulf %mul3A_860, %gather3A_1176 : vector<16xf32>
      %add3A_1229 = arith.addf %gather3A_1179, %mul3A_1228 : vector<16xf32>
      %mul3A_1230 = arith.mulf %mul3A_863, %gather3A_1177 : vector<16xf32>
      %add3A_1231 = arith.addf %add3A_1229, %mul3A_1230 : vector<16xf32>
      %mul3A_1232 = arith.mulf %mul3A_866, %gather3A_1178 : vector<16xf32>
      %add3A_1233 = arith.addf %add3A_1231, %mul3A_1232 : vector<16xf32>
      %min3A_1234 = arith.minimumf %scan3A_1168, %add3A_1233 : vector<16xf32>
      %mul3A_1235 = arith.constant 2 : i32
      %mul3A_1236 = arith.muli %scan3A_1160, %mul3A_1235 : i32
      %add3A_1237 = arith.constant 1 : i32
      %add3A_1238 = arith.addi %mul3A_1236, %add3A_1237 : i32
      %add3A_1239 = arith.constant 16 : i32
      %add3A_1240 = arith.addi %add3A_1239, %add3A_1238 : i32
      %broadcast_in_dim3A_1241 = vector.broadcast %add3A_1240 : i32 to vector<16xi32>
      %gather3A_1242 = tpu.vector_load_idx %arg7[%broadcast_in_dim3A_1241] : memref<1040xf32, #tpu.memory_space<vmem>>[vector<16xi32>], vector<16xf32>,
      %gather3A_1243 = tpu.vector_load_idx %arg8[%broadcast_in_dim3A_1241] : memref<1040xf32, #tpu.memory_space<vmem>>[vector<16xi32>], vector<16xf32>,
      %gather3A_1244 = tpu.vector_load_idx %arg9[%broadcast_in_dim3A_1241] : memref<1040xf32, #tpu.memory_space<vmem>>[vector<16xi32>], vector<16xf32>,
      %gather3A_1245 = tpu.vector_load_idx %arg14[%broadcast_in_dim3A_1241] : memref<1040xf32, #tpu.memory_space<vmem>>[vector<16xi32>], vector<16xf32>,
      %mul3A_1246 = arith.mulf %mul3A_202, %gather3A_1242 : vector<16xf32>
      %add3A_1247 = arith.addf %gather3A_1245, %mul3A_1246 : vector<16xf32>
      %mul3A_1248 = arith.mulf %mul3A_205, %gather3A_1243 : vector<16xf32>
      %add3A_1249 = arith.addf %add3A_1247, %mul3A_1248 : vector<16xf32>
      %mul3A_1250 = arith.mulf %mul3A_208, %gather3A_1244 : vector<16xf32>
      %add3A_1251 = arith.addf %add3A_1249, %mul3A_1250 : vector<16xf32>
      %min3A_1252 = arith.minimumf %min3A, %add3A_1251 : vector<16xf32>
      %mul3A_1253 = arith.mulf %mul3A_296, %gather3A_1242 : vector<16xf32>
      %add3A_1254 = arith.addf %gather3A_1245, %mul3A_1253 : vector<16xf32>
      %mul3A_1255 = arith.mulf %mul3A_299, %gather3A_1243 : vector<16xf32>
      %add3A_1256 = arith.addf %add3A_1254, %mul3A_1255 : vector<16xf32>
      %mul3A_1257 = arith.mulf %mul3A_302, %gather3A_1244 : vector<16xf32>
      %add3A_1258 = arith.addf %add3A_1256, %mul3A_1257 : vector<16xf32>
      %min3A_1259 = arith.minimumf %min3A_1192, %add3A_1258 : vector<16xf32>
      %mul3A_1260 = arith.mulf %mul3A_390, %gather3A_1242 : vector<16xf32>
      %add3A_1261 = arith.addf %gather3A_1245, %mul3A_1260 : vector<16xf32>
      %mul3A_1262 = arith.mulf %mul3A_393, %gather3A_1243 : vector<16xf32>
      %add3A_1263 = arith.addf %add3A_1261, %mul3A_1262 : vector<16xf32>
      %mul3A_1264 = arith.mulf %mul3A_396, %gather3A_1244 : vector<16xf32>
      %add3A_1265 = arith.addf %add3A_1263, %mul3A_1264 : vector<16xf32>
      %min3A_1266 = arith.minimumf %min3A_1199, %add3A_1265 : vector<16xf32>
      %mul3A_1267 = arith.mulf %mul3A_484, %gather3A_1242 : vector<16xf32>
      %add3A_1268 = arith.addf %gather3A_1245, %mul3A_1267 : vector<16xf32>
      %mul3A_1269 = arith.mulf %mul3A_487, %gather3A_1243 : vector<16xf32>
      %add3A_1270 = arith.addf %add3A_1268, %mul3A_1269 : vector<16xf32>
      %mul3A_1271 = arith.mulf %mul3A_490, %gather3A_1244 : vector<16xf32>
      %add3A_1272 = arith.addf %add3A_1270, %mul3A_1271 : vector<16xf32>
      %min3A_1273 = arith.minimumf %min3A_1206, %add3A_1272 : vector<16xf32>
      %mul3A_1274 = arith.mulf %mul3A_578, %gather3A_1242 : vector<16xf32>
      %add3A_1275 = arith.addf %gather3A_1245, %mul3A_1274 : vector<16xf32>
      %mul3A_1276 = arith.mulf %mul3A_581, %gather3A_1243 : vector<16xf32>
      %add3A_1277 = arith.addf %add3A_1275, %mul3A_1276 : vector<16xf32>
      %mul3A_1278 = arith.mulf %mul3A_584, %gather3A_1244 : vector<16xf32>
      %add3A_1279 = arith.addf %add3A_1277, %mul3A_1278 : vector<16xf32>
      %min3A_1280 = arith.minimumf %min3A_1213, %add3A_1279 : vector<16xf32>
      %mul3A_1281 = arith.mulf %mul3A_672, %gather3A_1242 : vector<16xf32>
      %add3A_1282 = arith.addf %gather3A_1245, %mul3A_1281 : vector<16xf32>
      %mul3A_1283 = arith.mulf %mul3A_675, %gather3A_1243 : vector<16xf32>
      %add3A_1284 = arith.addf %add3A_1282, %mul3A_1283 : vector<16xf32>
      %mul3A_1285 = arith.mulf %mul3A_678, %gather3A_1244 : vector<16xf32>
      %add3A_1286 = arith.addf %add3A_1284, %mul3A_1285 : vector<16xf32>
      %min3A_1287 = arith.minimumf %min3A_1220, %add3A_1286 : vector<16xf32>
      %mul3A_1288 = arith.mulf %mul3A_766, %gather3A_1242 : vector<16xf32>
      %add3A_1289 = arith.addf %gather3A_1245, %mul3A_1288 : vector<16xf32>
      %mul3A_1290 = arith.mulf %mul3A_769, %gather3A_1243 : vector<16xf32>
      %add3A_1291 = arith.addf %add3A_1289, %mul3A_1290 : vector<16xf32>
      %mul3A_1292 = arith.mulf %mul3A_772, %gather3A_1244 : vector<16xf32>
      %add3A_1293 = arith.addf %add3A_1291, %mul3A_1292 : vector<16xf32>
      %min3A_1294 = arith.minimumf %min3A_1227, %add3A_1293 : vector<16xf32>
      %mul3A_1295 = arith.mulf %mul3A_860, %gather3A_1242 : vector<16xf32>
      %add3A_1296 = arith.addf %gather3A_1245, %mul3A_1295 : vector<16xf32>
      %mul3A_1297 = arith.mulf %mul3A_863, %gather3A_1243 : vector<16xf32>
      %add3A_1298 = arith.addf %add3A_1296, %mul3A_1297 : vector<16xf32>
      %mul3A_1299 = arith.mulf %mul3A_866, %gather3A_1244 : vector<16xf32>
      %add3A_1300 = arith.addf %add3A_1298, %mul3A_1299 : vector<16xf32>
      %min3A_1301 = arith.minimumf %min3A_1234, %add3A_1300 : vector<16xf32>
      scf.yield %min3A_1252, %min3A_1259, %min3A_1266, %min3A_1273, %min3A_1280, %min3A_1287, %min3A_1294, %min3A_1301 : vector<16xf32>, vector<16xf32>, vector<16xf32>, vector<16xf32>, vector<16xf32>, vector<16xf32>, vector<16xf32>, vector<16xf32>
    }
    %scan3A_872 = arith.constant 512 : i32
    %add3A_873 = arith.addf %scan3A_871#0, %add3A_199 : vector<16xf32>
    %max3A_874 = arith.constant 9.99999996E-13 : f32
    %max3A_875 = vector.broadcast %max3A_874 : f32 to vector<16xf32>
    %max3A_876 = arith.maximumf %add3A_873, %max3A_875 : vector<16xf32>
    %bitcast3A_877 = vector.bitcast %max3A_876 : vector<16xf32> to vector<16xi32>
    %broadcast_in_dim3A_878 = arith.constant 1597463007 : i32
    %broadcast_in_dim3A_879 = vector.broadcast %broadcast_in_dim3A_878 : i32 to vector<16xi32>
    %shift_right_logical3A_880 = arith.constant 1 : i32
    %shift_right_logical3A_881 = vector.broadcast %shift_right_logical3A_880 : i32 to vector<16xi32>
    %shift_right_logical3A_882 = arith.shrui %bitcast3A_877, %shift_right_logical3A_881 : vector<16xi32>
    %sub3A_883 = arith.subi %broadcast_in_dim3A_879, %shift_right_logical3A_882 : vector<16xi32>
    %bitcast3A_884 = vector.bitcast %sub3A_883 : vector<16xi32> to vector<16xf32>
    %mul3A_885 = arith.constant 5.000000e-01 : f32
    %mul3A_886 = vector.broadcast %mul3A_885 : f32 to vector<16xf32>
    %mul3A_887 = arith.mulf %max3A_876, %mul3A_886 : vector<16xf32>
    %mul3A_888 = arith.mulf %mul3A_887, %bitcast3A_884 : vector<16xf32>
    %mul3A_889 = arith.mulf %mul3A_888, %bitcast3A_884 : vector<16xf32>
    %sub3A_890 = arith.constant 1.500000e+00 : f32
    %sub3A_891 = vector.broadcast %sub3A_890 : f32 to vector<16xf32>
    %sub3A_892 = arith.subf %sub3A_891, %mul3A_889 : vector<16xf32>
    %mul3A_893 = arith.mulf %bitcast3A_884, %sub3A_892 : vector<16xf32>
    %mul3A_894 = arith.mulf %mul3A_887, %mul3A_893 : vector<16xf32>
    %mul3A_895 = arith.mulf %mul3A_894, %mul3A_893 : vector<16xf32>
    %sub3A_896 = arith.constant 1.500000e+00 : f32
    %sub3A_897 = vector.broadcast %sub3A_896 : f32 to vector<16xf32>
    %sub3A_898 = arith.subf %sub3A_897, %mul3A_895 : vector<16xf32>
    %mul3A_899 = arith.mulf %mul3A_893, %sub3A_898 : vector<16xf32>
    %mul3A_900 = arith.mulf %mul3A_887, %mul3A_899 : vector<16xf32>
    %mul3A_901 = arith.mulf %mul3A_900, %mul3A_899 : vector<16xf32>
    %sub3A_902 = arith.constant 1.500000e+00 : f32
    %sub3A_903 = vector.broadcast %sub3A_902 : f32 to vector<16xf32>
    %sub3A_904 = arith.subf %sub3A_903, %mul3A_901 : vector<16xf32>
    %mul3A_905 = arith.mulf %mul3A_899, %sub3A_904 : vector<16xf32>
    %mul3A_906 = arith.mulf %max3A_876, %mul3A_905 : vector<16xf32>
    %add3A_907 = arith.addf %broadcast_in_dim3A_116, %mul3A_906 : vector<16xf32>
    %add3A_908 = arith.addf %scan3A_871#1, %add3A_293 : vector<16xf32>
    %max3A_909 = arith.constant 9.99999996E-13 : f32
    %max3A_910 = vector.broadcast %max3A_909 : f32 to vector<16xf32>
    %max3A_911 = arith.maximumf %add3A_908, %max3A_910 : vector<16xf32>
    %bitcast3A_912 = vector.bitcast %max3A_911 : vector<16xf32> to vector<16xi32>
    %broadcast_in_dim3A_913 = arith.constant 1597463007 : i32
    %broadcast_in_dim3A_914 = vector.broadcast %broadcast_in_dim3A_913 : i32 to vector<16xi32>
    %shift_right_logical3A_915 = arith.constant 1 : i32
    %shift_right_logical3A_916 = vector.broadcast %shift_right_logical3A_915 : i32 to vector<16xi32>
    %shift_right_logical3A_917 = arith.shrui %bitcast3A_912, %shift_right_logical3A_916 : vector<16xi32>
    %sub3A_918 = arith.subi %broadcast_in_dim3A_914, %shift_right_logical3A_917 : vector<16xi32>
    %bitcast3A_919 = vector.bitcast %sub3A_918 : vector<16xi32> to vector<16xf32>
    %mul3A_920 = arith.constant 5.000000e-01 : f32
    %mul3A_921 = vector.broadcast %mul3A_920 : f32 to vector<16xf32>
    %mul3A_922 = arith.mulf %max3A_911, %mul3A_921 : vector<16xf32>
    %mul3A_923 = arith.mulf %mul3A_922, %bitcast3A_919 : vector<16xf32>
    %mul3A_924 = arith.mulf %mul3A_923, %bitcast3A_919 : vector<16xf32>
    %sub3A_925 = arith.constant 1.500000e+00 : f32
    %sub3A_926 = vector.broadcast %sub3A_925 : f32 to vector<16xf32>
    %sub3A_927 = arith.subf %sub3A_926, %mul3A_924 : vector<16xf32>
    %mul3A_928 = arith.mulf %bitcast3A_919, %sub3A_927 : vector<16xf32>
    %mul3A_929 = arith.mulf %mul3A_922, %mul3A_928 : vector<16xf32>
    %mul3A_930 = arith.mulf %mul3A_929, %mul3A_928 : vector<16xf32>
    %sub3A_931 = arith.constant 1.500000e+00 : f32
    %sub3A_932 = vector.broadcast %sub3A_931 : f32 to vector<16xf32>
    %sub3A_933 = arith.subf %sub3A_932, %mul3A_930 : vector<16xf32>
    %mul3A_934 = arith.mulf %mul3A_928, %sub3A_933 : vector<16xf32>
    %mul3A_935 = arith.mulf %mul3A_922, %mul3A_934 : vector<16xf32>
    %mul3A_936 = arith.mulf %mul3A_935, %mul3A_934 : vector<16xf32>
    %sub3A_937 = arith.constant 1.500000e+00 : f32
    %sub3A_938 = vector.broadcast %sub3A_937 : f32 to vector<16xf32>
    %sub3A_939 = arith.subf %sub3A_938, %mul3A_936 : vector<16xf32>
    %mul3A_940 = arith.mulf %mul3A_934, %sub3A_939 : vector<16xf32>
    %mul3A_941 = arith.mulf %max3A_911, %mul3A_940 : vector<16xf32>
    %add3A_942 = arith.addf %add3A_907, %mul3A_941 : vector<16xf32>
    %add3A_943 = arith.addf %scan3A_871#2, %add3A_387 : vector<16xf32>
    %max3A_944 = arith.constant 9.99999996E-13 : f32
    %max3A_945 = vector.broadcast %max3A_944 : f32 to vector<16xf32>
    %max3A_946 = arith.maximumf %add3A_943, %max3A_945 : vector<16xf32>
    %bitcast3A_947 = vector.bitcast %max3A_946 : vector<16xf32> to vector<16xi32>
    %broadcast_in_dim3A_948 = arith.constant 1597463007 : i32
    %broadcast_in_dim3A_949 = vector.broadcast %broadcast_in_dim3A_948 : i32 to vector<16xi32>
    %shift_right_logical3A_950 = arith.constant 1 : i32
    %shift_right_logical3A_951 = vector.broadcast %shift_right_logical3A_950 : i32 to vector<16xi32>
    %shift_right_logical3A_952 = arith.shrui %bitcast3A_947, %shift_right_logical3A_951 : vector<16xi32>
    %sub3A_953 = arith.subi %broadcast_in_dim3A_949, %shift_right_logical3A_952 : vector<16xi32>
    %bitcast3A_954 = vector.bitcast %sub3A_953 : vector<16xi32> to vector<16xf32>
    %mul3A_955 = arith.constant 5.000000e-01 : f32
    %mul3A_956 = vector.broadcast %mul3A_955 : f32 to vector<16xf32>
    %mul3A_957 = arith.mulf %max3A_946, %mul3A_956 : vector<16xf32>
    %mul3A_958 = arith.mulf %mul3A_957, %bitcast3A_954 : vector<16xf32>
    %mul3A_959 = arith.mulf %mul3A_958, %bitcast3A_954 : vector<16xf32>
    %sub3A_960 = arith.constant 1.500000e+00 : f32
    %sub3A_961 = vector.broadcast %sub3A_960 : f32 to vector<16xf32>
    %sub3A_962 = arith.subf %sub3A_961, %mul3A_959 : vector<16xf32>
    %mul3A_963 = arith.mulf %bitcast3A_954, %sub3A_962 : vector<16xf32>
    %mul3A_964 = arith.mulf %mul3A_957, %mul3A_963 : vector<16xf32>
    %mul3A_965 = arith.mulf %mul3A_964, %mul3A_963 : vector<16xf32>
    %sub3A_966 = arith.constant 1.500000e+00 : f32
    %sub3A_967 = vector.broadcast %sub3A_966 : f32 to vector<16xf32>
    %sub3A_968 = arith.subf %sub3A_967, %mul3A_965 : vector<16xf32>
    %mul3A_969 = arith.mulf %mul3A_963, %sub3A_968 : vector<16xf32>
    %mul3A_970 = arith.mulf %mul3A_957, %mul3A_969 : vector<16xf32>
    %mul3A_971 = arith.mulf %mul3A_970, %mul3A_969 : vector<16xf32>
    %sub3A_972 = arith.constant 1.500000e+00 : f32
    %sub3A_973 = vector.broadcast %sub3A_972 : f32 to vector<16xf32>
    %sub3A_974 = arith.subf %sub3A_973, %mul3A_971 : vector<16xf32>
    %mul3A_975 = arith.mulf %mul3A_969, %sub3A_974 : vector<16xf32>
    %mul3A_976 = arith.mulf %max3A_946, %mul3A_975 : vector<16xf32>
    %add3A_977 = arith.addf %add3A_942, %mul3A_976 : vector<16xf32>
    %add3A_978 = arith.addf %scan3A_871#3, %add3A_481 : vector<16xf32>
    %max3A_979 = arith.constant 9.99999996E-13 : f32
    %max3A_980 = vector.broadcast %max3A_979 : f32 to vector<16xf32>
    %max3A_981 = arith.maximumf %add3A_978, %max3A_980 : vector<16xf32>
    %bitcast3A_982 = vector.bitcast %max3A_981 : vector<16xf32> to vector<16xi32>
    %broadcast_in_dim3A_983 = arith.constant 1597463007 : i32
    %broadcast_in_dim3A_984 = vector.broadcast %broadcast_in_dim3A_983 : i32 to vector<16xi32>
    %shift_right_logical3A_985 = arith.constant 1 : i32
    %shift_right_logical3A_986 = vector.broadcast %shift_right_logical3A_985 : i32 to vector<16xi32>
    %shift_right_logical3A_987 = arith.shrui %bitcast3A_982, %shift_right_logical3A_986 : vector<16xi32>
    %sub3A_988 = arith.subi %broadcast_in_dim3A_984, %shift_right_logical3A_987 : vector<16xi32>
    %bitcast3A_989 = vector.bitcast %sub3A_988 : vector<16xi32> to vector<16xf32>
    %mul3A_990 = arith.constant 5.000000e-01 : f32
    %mul3A_991 = vector.broadcast %mul3A_990 : f32 to vector<16xf32>
    %mul3A_992 = arith.mulf %max3A_981, %mul3A_991 : vector<16xf32>
    %mul3A_993 = arith.mulf %mul3A_992, %bitcast3A_989 : vector<16xf32>
    %mul3A_994 = arith.mulf %mul3A_993, %bitcast3A_989 : vector<16xf32>
    %sub3A_995 = arith.constant 1.500000e+00 : f32
    %sub3A_996 = vector.broadcast %sub3A_995 : f32 to vector<16xf32>
    %sub3A_997 = arith.subf %sub3A_996, %mul3A_994 : vector<16xf32>
    %mul3A_998 = arith.mulf %bitcast3A_989, %sub3A_997 : vector<16xf32>
    %mul3A_999 = arith.mulf %mul3A_992, %mul3A_998 : vector<16xf32>
    %mul3A_1000 = arith.mulf %mul3A_999, %mul3A_998 : vector<16xf32>
    %sub3A_1001 = arith.constant 1.500000e+00 : f32
    %sub3A_1002 = vector.broadcast %sub3A_1001 : f32 to vector<16xf32>
    %sub3A_1003 = arith.subf %sub3A_1002, %mul3A_1000 : vector<16xf32>
    %mul3A_1004 = arith.mulf %mul3A_998, %sub3A_1003 : vector<16xf32>
    %mul3A_1005 = arith.mulf %mul3A_992, %mul3A_1004 : vector<16xf32>
    %mul3A_1006 = arith.mulf %mul3A_1005, %mul3A_1004 : vector<16xf32>
    %sub3A_1007 = arith.constant 1.500000e+00 : f32
    %sub3A_1008 = vector.broadcast %sub3A_1007 : f32 to vector<16xf32>
    %sub3A_1009 = arith.subf %sub3A_1008, %mul3A_1006 : vector<16xf32>
    %mul3A_1010 = arith.mulf %mul3A_1004, %sub3A_1009 : vector<16xf32>
    %mul3A_1011 = arith.mulf %max3A_981, %mul3A_1010 : vector<16xf32>
    %add3A_1012 = arith.addf %add3A_977, %mul3A_1011 : vector<16xf32>
    %add3A_1013 = arith.addf %scan3A_871#4, %add3A_575 : vector<16xf32>
    %max3A_1014 = arith.constant 9.99999996E-13 : f32
    %max3A_1015 = vector.broadcast %max3A_1014 : f32 to vector<16xf32>
    %max3A_1016 = arith.maximumf %add3A_1013, %max3A_1015 : vector<16xf32>
    %bitcast3A_1017 = vector.bitcast %max3A_1016 : vector<16xf32> to vector<16xi32>
    %broadcast_in_dim3A_1018 = arith.constant 1597463007 : i32
    %broadcast_in_dim3A_1019 = vector.broadcast %broadcast_in_dim3A_1018 : i32 to vector<16xi32>
    %shift_right_logical3A_1020 = arith.constant 1 : i32
    %shift_right_logical3A_1021 = vector.broadcast %shift_right_logical3A_1020 : i32 to vector<16xi32>
    %shift_right_logical3A_1022 = arith.shrui %bitcast3A_1017, %shift_right_logical3A_1021 : vector<16xi32>
    %sub3A_1023 = arith.subi %broadcast_in_dim3A_1019, %shift_right_logical3A_1022 : vector<16xi32>
    %bitcast3A_1024 = vector.bitcast %sub3A_1023 : vector<16xi32> to vector<16xf32>
    %mul3A_1025 = arith.constant 5.000000e-01 : f32
    %mul3A_1026 = vector.broadcast %mul3A_1025 : f32 to vector<16xf32>
    %mul3A_1027 = arith.mulf %max3A_1016, %mul3A_1026 : vector<16xf32>
    %mul3A_1028 = arith.mulf %mul3A_1027, %bitcast3A_1024 : vector<16xf32>
    %mul3A_1029 = arith.mulf %mul3A_1028, %bitcast3A_1024 : vector<16xf32>
    %sub3A_1030 = arith.constant 1.500000e+00 : f32
    %sub3A_1031 = vector.broadcast %sub3A_1030 : f32 to vector<16xf32>
    %sub3A_1032 = arith.subf %sub3A_1031, %mul3A_1029 : vector<16xf32>
    %mul3A_1033 = arith.mulf %bitcast3A_1024, %sub3A_1032 : vector<16xf32>
    %mul3A_1034 = arith.mulf %mul3A_1027, %mul3A_1033 : vector<16xf32>
    %mul3A_1035 = arith.mulf %mul3A_1034, %mul3A_1033 : vector<16xf32>
    %sub3A_1036 = arith.constant 1.500000e+00 : f32
    %sub3A_1037 = vector.broadcast %sub3A_1036 : f32 to vector<16xf32>
    %sub3A_1038 = arith.subf %sub3A_1037, %mul3A_1035 : vector<16xf32>
    %mul3A_1039 = arith.mulf %mul3A_1033, %sub3A_1038 : vector<16xf32>
    %mul3A_1040 = arith.mulf %mul3A_1027, %mul3A_1039 : vector<16xf32>
    %mul3A_1041 = arith.mulf %mul3A_1040, %mul3A_1039 : vector<16xf32>
    %sub3A_1042 = arith.constant 1.500000e+00 : f32
    %sub3A_1043 = vector.broadcast %sub3A_1042 : f32 to vector<16xf32>
    %sub3A_1044 = arith.subf %sub3A_1043, %mul3A_1041 : vector<16xf32>
    %mul3A_1045 = arith.mulf %mul3A_1039, %sub3A_1044 : vector<16xf32>
    %mul3A_1046 = arith.mulf %max3A_1016, %mul3A_1045 : vector<16xf32>
    %add3A_1047 = arith.addf %add3A_1012, %mul3A_1046 : vector<16xf32>
    %add3A_1048 = arith.addf %scan3A_871#5, %add3A_669 : vector<16xf32>
    %max3A_1049 = arith.constant 9.99999996E-13 : f32
    %max3A_1050 = vector.broadcast %max3A_1049 : f32 to vector<16xf32>
    %max3A_1051 = arith.maximumf %add3A_1048, %max3A_1050 : vector<16xf32>
    %bitcast3A_1052 = vector.bitcast %max3A_1051 : vector<16xf32> to vector<16xi32>
    %broadcast_in_dim3A_1053 = arith.constant 1597463007 : i32
    %broadcast_in_dim3A_1054 = vector.broadcast %broadcast_in_dim3A_1053 : i32 to vector<16xi32>
    %shift_right_logical3A_1055 = arith.constant 1 : i32
    %shift_right_logical3A_1056 = vector.broadcast %shift_right_logical3A_1055 : i32 to vector<16xi32>
    %shift_right_logical3A_1057 = arith.shrui %bitcast3A_1052, %shift_right_logical3A_1056 : vector<16xi32>
    %sub3A_1058 = arith.subi %broadcast_in_dim3A_1054, %shift_right_logical3A_1057 : vector<16xi32>
    %bitcast3A_1059 = vector.bitcast %sub3A_1058 : vector<16xi32> to vector<16xf32>
    %mul3A_1060 = arith.constant 5.000000e-01 : f32
    %mul3A_1061 = vector.broadcast %mul3A_1060 : f32 to vector<16xf32>
    %mul3A_1062 = arith.mulf %max3A_1051, %mul3A_1061 : vector<16xf32>
    %mul3A_1063 = arith.mulf %mul3A_1062, %bitcast3A_1059 : vector<16xf32>
    %mul3A_1064 = arith.mulf %mul3A_1063, %bitcast3A_1059 : vector<16xf32>
    %sub3A_1065 = arith.constant 1.500000e+00 : f32
    %sub3A_1066 = vector.broadcast %sub3A_1065 : f32 to vector<16xf32>
    %sub3A_1067 = arith.subf %sub3A_1066, %mul3A_1064 : vector<16xf32>
    %mul3A_1068 = arith.mulf %bitcast3A_1059, %sub3A_1067 : vector<16xf32>
    %mul3A_1069 = arith.mulf %mul3A_1062, %mul3A_1068 : vector<16xf32>
    %mul3A_1070 = arith.mulf %mul3A_1069, %mul3A_1068 : vector<16xf32>
    %sub3A_1071 = arith.constant 1.500000e+00 : f32
    %sub3A_1072 = vector.broadcast %sub3A_1071 : f32 to vector<16xf32>
    %sub3A_1073 = arith.subf %sub3A_1072, %mul3A_1070 : vector<16xf32>
    %mul3A_1074 = arith.mulf %mul3A_1068, %sub3A_1073 : vector<16xf32>
    %mul3A_1075 = arith.mulf %mul3A_1062, %mul3A_1074 : vector<16xf32>
    %mul3A_1076 = arith.mulf %mul3A_1075, %mul3A_1074 : vector<16xf32>
    %sub3A_1077 = arith.constant 1.500000e+00 : f32
    %sub3A_1078 = vector.broadcast %sub3A_1077 : f32 to vector<16xf32>
    %sub3A_1079 = arith.subf %sub3A_1078, %mul3A_1076 : vector<16xf32>
    %mul3A_1080 = arith.mulf %mul3A_1074, %sub3A_1079 : vector<16xf32>
    %mul3A_1081 = arith.mulf %max3A_1051, %mul3A_1080 : vector<16xf32>
    %add3A_1082 = arith.addf %add3A_1047, %mul3A_1081 : vector<16xf32>
    %add3A_1083 = arith.addf %scan3A_871#6, %add3A_763 : vector<16xf32>
    %max3A_1084 = arith.constant 9.99999996E-13 : f32
    %max3A_1085 = vector.broadcast %max3A_1084 : f32 to vector<16xf32>
    %max3A_1086 = arith.maximumf %add3A_1083, %max3A_1085 : vector<16xf32>
    %bitcast3A_1087 = vector.bitcast %max3A_1086 : vector<16xf32> to vector<16xi32>
    %broadcast_in_dim3A_1088 = arith.constant 1597463007 : i32
    %broadcast_in_dim3A_1089 = vector.broadcast %broadcast_in_dim3A_1088 : i32 to vector<16xi32>
    %shift_right_logical3A_1090 = arith.constant 1 : i32
    %shift_right_logical3A_1091 = vector.broadcast %shift_right_logical3A_1090 : i32 to vector<16xi32>
    %shift_right_logical3A_1092 = arith.shrui %bitcast3A_1087, %shift_right_logical3A_1091 : vector<16xi32>
    %sub3A_1093 = arith.subi %broadcast_in_dim3A_1089, %shift_right_logical3A_1092 : vector<16xi32>
    %bitcast3A_1094 = vector.bitcast %sub3A_1093 : vector<16xi32> to vector<16xf32>
    %mul3A_1095 = arith.constant 5.000000e-01 : f32
    %mul3A_1096 = vector.broadcast %mul3A_1095 : f32 to vector<16xf32>
    %mul3A_1097 = arith.mulf %max3A_1086, %mul3A_1096 : vector<16xf32>
    %mul3A_1098 = arith.mulf %mul3A_1097, %bitcast3A_1094 : vector<16xf32>
    %mul3A_1099 = arith.mulf %mul3A_1098, %bitcast3A_1094 : vector<16xf32>
    %sub3A_1100 = arith.constant 1.500000e+00 : f32
    %sub3A_1101 = vector.broadcast %sub3A_1100 : f32 to vector<16xf32>
    %sub3A_1102 = arith.subf %sub3A_1101, %mul3A_1099 : vector<16xf32>
    %mul3A_1103 = arith.mulf %bitcast3A_1094, %sub3A_1102 : vector<16xf32>
    %mul3A_1104 = arith.mulf %mul3A_1097, %mul3A_1103 : vector<16xf32>
    %mul3A_1105 = arith.mulf %mul3A_1104, %mul3A_1103 : vector<16xf32>
    %sub3A_1106 = arith.constant 1.500000e+00 : f32
    %sub3A_1107 = vector.broadcast %sub3A_1106 : f32 to vector<16xf32>
    %sub3A_1108 = arith.subf %sub3A_1107, %mul3A_1105 : vector<16xf32>
    %mul3A_1109 = arith.mulf %mul3A_1103, %sub3A_1108 : vector<16xf32>
    %mul3A_1110 = arith.mulf %mul3A_1097, %mul3A_1109 : vector<16xf32>
    %mul3A_1111 = arith.mulf %mul3A_1110, %mul3A_1109 : vector<16xf32>
    %sub3A_1112 = arith.constant 1.500000e+00 : f32
    %sub3A_1113 = vector.broadcast %sub3A_1112 : f32 to vector<16xf32>
    %sub3A_1114 = arith.subf %sub3A_1113, %mul3A_1111 : vector<16xf32>
    %mul3A_1115 = arith.mulf %mul3A_1109, %sub3A_1114 : vector<16xf32>
    %mul3A_1116 = arith.mulf %max3A_1086, %mul3A_1115 : vector<16xf32>
    %add3A_1117 = arith.addf %add3A_1082, %mul3A_1116 : vector<16xf32>
    %add3A_1118 = arith.addf %scan3A_871#7, %add3A_857 : vector<16xf32>
    %max3A_1119 = arith.constant 9.99999996E-13 : f32
    %max3A_1120 = vector.broadcast %max3A_1119 : f32 to vector<16xf32>
    %max3A_1121 = arith.maximumf %add3A_1118, %max3A_1120 : vector<16xf32>
    %bitcast3A_1122 = vector.bitcast %max3A_1121 : vector<16xf32> to vector<16xi32>
    %broadcast_in_dim3A_1123 = arith.constant 1597463007 : i32
    %broadcast_in_dim3A_1124 = vector.broadcast %broadcast_in_dim3A_1123 : i32 to vector<16xi32>
    %shift_right_logical3A_1125 = arith.constant 1 : i32
    %shift_right_logical3A_1126 = vector.broadcast %shift_right_logical3A_1125 : i32 to vector<16xi32>
    %shift_right_logical3A_1127 = arith.shrui %bitcast3A_1122, %shift_right_logical3A_1126 : vector<16xi32>
    %sub3A_1128 = arith.subi %broadcast_in_dim3A_1124, %shift_right_logical3A_1127 : vector<16xi32>
    %bitcast3A_1129 = vector.bitcast %sub3A_1128 : vector<16xi32> to vector<16xf32>
    %mul3A_1130 = arith.constant 5.000000e-01 : f32
    %mul3A_1131 = vector.broadcast %mul3A_1130 : f32 to vector<16xf32>
    %mul3A_1132 = arith.mulf %max3A_1121, %mul3A_1131 : vector<16xf32>
    %mul3A_1133 = arith.mulf %mul3A_1132, %bitcast3A_1129 : vector<16xf32>
    %mul3A_1134 = arith.mulf %mul3A_1133, %bitcast3A_1129 : vector<16xf32>
    %sub3A_1135 = arith.constant 1.500000e+00 : f32
    %sub3A_1136 = vector.broadcast %sub3A_1135 : f32 to vector<16xf32>
    %sub3A_1137 = arith.subf %sub3A_1136, %mul3A_1134 : vector<16xf32>
    %mul3A_1138 = arith.mulf %bitcast3A_1129, %sub3A_1137 : vector<16xf32>
    %mul3A_1139 = arith.mulf %mul3A_1132, %mul3A_1138 : vector<16xf32>
    %mul3A_1140 = arith.mulf %mul3A_1139, %mul3A_1138 : vector<16xf32>
    %sub3A_1141 = arith.constant 1.500000e+00 : f32
    %sub3A_1142 = vector.broadcast %sub3A_1141 : f32 to vector<16xf32>
    %sub3A_1143 = arith.subf %sub3A_1142, %mul3A_1140 : vector<16xf32>
    %mul3A_1144 = arith.mulf %mul3A_1138, %sub3A_1143 : vector<16xf32>
    %mul3A_1145 = arith.mulf %mul3A_1132, %mul3A_1144 : vector<16xf32>
    %mul3A_1146 = arith.mulf %mul3A_1145, %mul3A_1144 : vector<16xf32>
    %sub3A_1147 = arith.constant 1.500000e+00 : f32
    %sub3A_1148 = vector.broadcast %sub3A_1147 : f32 to vector<16xf32>
    %sub3A_1149 = arith.subf %sub3A_1148, %mul3A_1146 : vector<16xf32>
    %mul3A_1150 = arith.mulf %mul3A_1144, %sub3A_1149 : vector<16xf32>
    %mul3A_1151 = arith.mulf %max3A_1121, %mul3A_1150 : vector<16xf32>
    %add3A_1152 = arith.addf %add3A_1117, %mul3A_1151 : vector<16xf32>
    %swap3A = arith.constant 0 : index
    %swap3A_1153 = tpu.vector_load %arg15[%swap3A] {strides = array<i32>} : memref<16xf32, #tpu.memory_space<vmem>>, vector<16xf32>,
    tpu.vector_store %arg15[%swap3A], %add3A_1152 {strides = array<i32>} : memref<16xf32, #tpu.memory_space<vmem>>, vector<16xf32>,
    %swap3A_1154 = arith.constant 0 : index
    %swap3A_1155 = tpu.vector_load %arg16[%swap3A_1154] {strides = array<i32>} : memref<16xf32, #tpu.memory_space<vmem>>, vector<16xf32>,
    tpu.vector_store %arg16[%swap3A_1154], %add3A_852 {strides = array<i32>} : memref<16xf32, #tpu.memory_space<vmem>>, vector<16xf32>,
    %mul3A_1156 = arith.constant 16 : i32
    %mul3A_1157 = arith.muli %add3A, %mul3A_1156 : i32
    "tpu.region"() ({
      %run_scoped3A = tpu.sem_alloc : memref<!tpu.dma_semaphore, #tpu.memory_space<semaphore_mem>>
      %dma_start3A = tpu.memref_slice %arg5[%mul3A_1157] : memref<512xf32, #tpu.memory_space<hbm>> -> memref<16xf32, #tpu.memory_space<hbm>>
      %dma_start3A_1160 = tpu.memref_slice %arg5[%mul3A_1157] : memref<512xf32, #tpu.memory_space<hbm>> -> memref<16xf32, #tpu.memory_space<hbm>>
      tpu.enqueue_dma source(%arg15 : memref<16xf32, #tpu.memory_space<vmem>>) target(%dma_start3A_1160 : memref<16xf32, #tpu.memory_space<hbm>>) target_semaphore(%run_scoped3A : memref<!tpu.dma_semaphore, #tpu.memory_space<semaphore_mem>>)
      %dma_wait3A = tpu.memref_slice %arg5[%mul3A_1157] : memref<512xf32, #tpu.memory_space<hbm>> -> memref<16xf32, #tpu.memory_space<hbm>>
      %dma_wait3A_1161 = tpu.memref_slice %arg5[%mul3A_1157] : memref<512xf32, #tpu.memory_space<hbm>> -> memref<16xf32, #tpu.memory_space<hbm>>
      tpu.wait_dma2 semaphore(%run_scoped3A : memref<!tpu.dma_semaphore, #tpu.memory_space<semaphore_mem>>) src(%arg15 : memref<16xf32, #tpu.memory_space<vmem>>) dst(%dma_wait3A_1161 : memref<16xf32, #tpu.memory_space<hbm>>)
      tpu.yield
    }) : () -> ()
    %mul3A_1158 = arith.constant 16 : i32
    %mul3A_1159 = arith.muli %add3A, %mul3A_1158 : i32
    "tpu.region"() ({
      %run_scoped3A = tpu.sem_alloc : memref<!tpu.dma_semaphore, #tpu.memory_space<semaphore_mem>>
      %dma_start3A = tpu.memref_slice %arg6[%mul3A_1159] : memref<512xf32, #tpu.memory_space<hbm>> -> memref<16xf32, #tpu.memory_space<hbm>>
      %dma_start3A_1160 = tpu.memref_slice %arg6[%mul3A_1159] : memref<512xf32, #tpu.memory_space<hbm>> -> memref<16xf32, #tpu.memory_space<hbm>>
      tpu.enqueue_dma source(%arg16 : memref<16xf32, #tpu.memory_space<vmem>>) target(%dma_start3A_1160 : memref<16xf32, #tpu.memory_space<hbm>>) target_semaphore(%run_scoped3A : memref<!tpu.dma_semaphore, #tpu.memory_space<semaphore_mem>>)
      %dma_wait3A = tpu.memref_slice %arg6[%mul3A_1159] : memref<512xf32, #tpu.memory_space<hbm>> -> memref<16xf32, #tpu.memory_space<hbm>>
      %dma_wait3A_1161 = tpu.memref_slice %arg6[%mul3A_1159] : memref<512xf32, #tpu.memory_space<hbm>> -> memref<16xf32, #tpu.memory_space<hbm>>
      tpu.wait_dma2 semaphore(%run_scoped3A : memref<!tpu.dma_semaphore, #tpu.memory_space<semaphore_mem>>) src(%arg16 : memref<16xf32, #tpu.memory_space<vmem>>) dst(%dma_wait3A_1161 : memref<16xf32, #tpu.memory_space<hbm>>)
      tpu.yield
    }) : () -> ()
    return
  }
}

module attributes {stable_mosaic.version = 14 : i64} {
  func.func @_tc_body(%arg0: i32, %arg1: memref<1x1024x3xf32, #tpu.memory_space<vmem>>, %arg2: memref<1x3x1024xf32, #tpu.memory_space<vmem>>, %arg3: memref<1x3x1024xf32, #tpu.memory_space<vmem>>, %arg4: memref<1x4x4xf32, #tpu.memory_space<vmem>>, %arg5: memref<1x1x1024xf32, #tpu.memory_space<vmem>>, %arg6: memref<1x1x1024xf32, #tpu.memory_space<vmem>>) attributes {dimension_semantics = [#tpu.dimension_semantics<arbitrary>], iteration_bounds = array<i64: 12>, scalar_prefetch = 0 : i64, scratch_operands = 0 : i64, tpu.core_type = #tpu.core_type<tc>, window_params = [{transform_indices = @transform_0, window_bounds = array<i64: 1, 1024, 3>}, {transform_indices = @transform_1, window_bounds = array<i64: 1, 3, 1024>}, {transform_indices = @transform_2, window_bounds = array<i64: 1, 3, 1024>}, {transform_indices = @transform_3, window_bounds = array<i64: 1, 4, 4>}, {transform_indices = @transform_4, window_bounds = array<i64: 1, 1, 1024>}, {transform_indices = @transform_5, window_bounds = array<i64: 1, 1, 1024>}]} {
    %get3A = arith.constant 0 : index
    %get3A_0 = arith.constant 0 : index
    %get3A_1 = arith.constant 0 : index
    %get3A_2 = vector.load %arg4[%get3A, %get3A_0, %get3A_1] : memref<1x4x4xf32, #tpu.memory_space<vmem>>, vector<1x1x1xf32>
    %get3A_3 = vector.extract %get3A_2[0, 0, 0] : f32 from vector<1x1x1xf32>
    %get3A_4 = arith.constant 0 : index
    %get3A_5 = arith.constant 0 : index
    %get3A_6 = arith.constant 1 : index
    %get3A_7 = vector.load %arg4[%get3A_4, %get3A_5, %get3A_6] : memref<1x4x4xf32, #tpu.memory_space<vmem>>, vector<1x1x1xf32>
    %get3A_8 = vector.extract %get3A_7[0, 0, 0] : f32 from vector<1x1x1xf32>
    %get3A_9 = arith.constant 0 : index
    %get3A_10 = arith.constant 0 : index
    %get3A_11 = arith.constant 2 : index
    %get3A_12 = vector.load %arg4[%get3A_9, %get3A_10, %get3A_11] : memref<1x4x4xf32, #tpu.memory_space<vmem>>, vector<1x1x1xf32>
    %get3A_13 = vector.extract %get3A_12[0, 0, 0] : f32 from vector<1x1x1xf32>
    %get3A_14 = arith.constant 0 : index
    %get3A_15 = arith.constant 0 : index
    %get3A_16 = arith.constant 3 : index
    %get3A_17 = vector.load %arg4[%get3A_14, %get3A_15, %get3A_16] : memref<1x4x4xf32, #tpu.memory_space<vmem>>, vector<1x1x1xf32>
    %get3A_18 = vector.extract %get3A_17[0, 0, 0] : f32 from vector<1x1x1xf32>
    %get3A_19 = arith.constant 0 : index
    %get3A_20 = arith.constant 1 : index
    %get3A_21 = arith.constant 0 : index
    %get3A_22 = vector.load %arg4[%get3A_19, %get3A_20, %get3A_21] : memref<1x4x4xf32, #tpu.memory_space<vmem>>, vector<1x1x1xf32>
    %get3A_23 = vector.extract %get3A_22[0, 0, 0] : f32 from vector<1x1x1xf32>
    %get3A_24 = arith.constant 0 : index
    %get3A_25 = arith.constant 1 : index
    %get3A_26 = arith.constant 1 : index
    %get3A_27 = vector.load %arg4[%get3A_24, %get3A_25, %get3A_26] : memref<1x4x4xf32, #tpu.memory_space<vmem>>, vector<1x1x1xf32>
    %get3A_28 = vector.extract %get3A_27[0, 0, 0] : f32 from vector<1x1x1xf32>
    %get3A_29 = arith.constant 0 : index
    %get3A_30 = arith.constant 1 : index
    %get3A_31 = arith.constant 2 : index
    %get3A_32 = vector.load %arg4[%get3A_29, %get3A_30, %get3A_31] : memref<1x4x4xf32, #tpu.memory_space<vmem>>, vector<1x1x1xf32>
    %get3A_33 = vector.extract %get3A_32[0, 0, 0] : f32 from vector<1x1x1xf32>
    %get3A_34 = arith.constant 0 : index
    %get3A_35 = arith.constant 1 : index
    %get3A_36 = arith.constant 3 : index
    %get3A_37 = vector.load %arg4[%get3A_34, %get3A_35, %get3A_36] : memref<1x4x4xf32, #tpu.memory_space<vmem>>, vector<1x1x1xf32>
    %get3A_38 = vector.extract %get3A_37[0, 0, 0] : f32 from vector<1x1x1xf32>
    %get3A_39 = arith.constant 0 : index
    %get3A_40 = arith.constant 2 : index
    %get3A_41 = arith.constant 0 : index
    %get3A_42 = vector.load %arg4[%get3A_39, %get3A_40, %get3A_41] : memref<1x4x4xf32, #tpu.memory_space<vmem>>, vector<1x1x1xf32>
    %get3A_43 = vector.extract %get3A_42[0, 0, 0] : f32 from vector<1x1x1xf32>
    %get3A_44 = arith.constant 0 : index
    %get3A_45 = arith.constant 2 : index
    %get3A_46 = arith.constant 1 : index
    %get3A_47 = vector.load %arg4[%get3A_44, %get3A_45, %get3A_46] : memref<1x4x4xf32, #tpu.memory_space<vmem>>, vector<1x1x1xf32>
    %get3A_48 = vector.extract %get3A_47[0, 0, 0] : f32 from vector<1x1x1xf32>
    %get3A_49 = arith.constant 0 : index
    %get3A_50 = arith.constant 2 : index
    %get3A_51 = arith.constant 2 : index
    %get3A_52 = vector.load %arg4[%get3A_49, %get3A_50, %get3A_51] : memref<1x4x4xf32, #tpu.memory_space<vmem>>, vector<1x1x1xf32>
    %get3A_53 = vector.extract %get3A_52[0, 0, 0] : f32 from vector<1x1x1xf32>
    %get3A_54 = arith.constant 0 : index
    %get3A_55 = arith.constant 2 : index
    %get3A_56 = arith.constant 3 : index
    %get3A_57 = vector.load %arg4[%get3A_54, %get3A_55, %get3A_56] : memref<1x4x4xf32, #tpu.memory_space<vmem>>, vector<1x1x1xf32>
    %get3A_58 = vector.extract %get3A_57[0, 0, 0] : f32 from vector<1x1x1xf32>
    %get3A_59 = arith.constant 0 : index
    %get3A_60 = arith.constant 0 : index
    %get3A_61 = arith.constant 0 : index
    %get3A_62 = vector.load %arg2[%get3A_59, %get3A_60, %get3A_61] : memref<1x3x1024xf32, #tpu.memory_space<vmem>>, vector<1x1x1024xf32>
    %get3A_63 = vector.shape_cast %get3A_62 : vector<1x1x1024xf32> to vector<1x1024xf32>
    %get3A_64 = arith.constant 0 : index
    %get3A_65 = arith.constant 1 : index
    %get3A_66 = arith.constant 0 : index
    %get3A_67 = vector.load %arg2[%get3A_64, %get3A_65, %get3A_66] : memref<1x3x1024xf32, #tpu.memory_space<vmem>>, vector<1x1x1024xf32>
    %get3A_68 = vector.shape_cast %get3A_67 : vector<1x1x1024xf32> to vector<1x1024xf32>
    %get3A_69 = arith.constant 0 : index
    %get3A_70 = arith.constant 2 : index
    %get3A_71 = arith.constant 0 : index
    %get3A_72 = vector.load %arg2[%get3A_69, %get3A_70, %get3A_71] : memref<1x3x1024xf32, #tpu.memory_space<vmem>>, vector<1x1x1024xf32>
    %get3A_73 = vector.shape_cast %get3A_72 : vector<1x1x1024xf32> to vector<1x1024xf32>
    %get3A_74 = arith.constant 0 : index
    %get3A_75 = arith.constant 0 : index
    %get3A_76 = arith.constant 0 : index
    %get3A_77 = vector.load %arg3[%get3A_74, %get3A_75, %get3A_76] : memref<1x3x1024xf32, #tpu.memory_space<vmem>>, vector<1x1x1024xf32>
    %get3A_78 = vector.shape_cast %get3A_77 : vector<1x1x1024xf32> to vector<1x1024xf32>
    %get3A_79 = arith.constant 0 : index
    %get3A_80 = arith.constant 1 : index
    %get3A_81 = arith.constant 0 : index
    %get3A_82 = vector.load %arg3[%get3A_79, %get3A_80, %get3A_81] : memref<1x3x1024xf32, #tpu.memory_space<vmem>>, vector<1x1x1024xf32>
    %get3A_83 = vector.shape_cast %get3A_82 : vector<1x1x1024xf32> to vector<1x1024xf32>
    %get3A_84 = arith.constant 0 : index
    %get3A_85 = arith.constant 2 : index
    %get3A_86 = arith.constant 0 : index
    %get3A_87 = vector.load %arg3[%get3A_84, %get3A_85, %get3A_86] : memref<1x3x1024xf32, #tpu.memory_space<vmem>>, vector<1x1x1024xf32>
    %get3A_88 = vector.shape_cast %get3A_87 : vector<1x1x1024xf32> to vector<1x1024xf32>
    %mul3A = vector.broadcast %get3A_3 : f32 to vector<1x1024xf32>
    %mul3A_89 = arith.mulf %mul3A, %get3A_63 : vector<1x1024xf32>
    %mul3A_90 = vector.broadcast %get3A_8 : f32 to vector<1x1024xf32>
    %mul3A_91 = arith.mulf %mul3A_90, %get3A_68 : vector<1x1024xf32>
    %add3A = arith.addf %mul3A_89, %mul3A_91 : vector<1x1024xf32>
    %mul3A_92 = vector.broadcast %get3A_13 : f32 to vector<1x1024xf32>
    %mul3A_93 = arith.mulf %mul3A_92, %get3A_73 : vector<1x1024xf32>
    %add3A_94 = arith.addf %add3A, %mul3A_93 : vector<1x1024xf32>
    %add3A_95 = vector.broadcast %get3A_18 : f32 to vector<1x1024xf32>
    %add3A_96 = arith.addf %add3A_94, %add3A_95 : vector<1x1024xf32>
    %mul3A_97 = vector.broadcast %get3A_23 : f32 to vector<1x1024xf32>
    %mul3A_98 = arith.mulf %mul3A_97, %get3A_63 : vector<1x1024xf32>
    %mul3A_99 = vector.broadcast %get3A_28 : f32 to vector<1x1024xf32>
    %mul3A_100 = arith.mulf %mul3A_99, %get3A_68 : vector<1x1024xf32>
    %add3A_101 = arith.addf %mul3A_98, %mul3A_100 : vector<1x1024xf32>
    %mul3A_102 = vector.broadcast %get3A_33 : f32 to vector<1x1024xf32>
    %mul3A_103 = arith.mulf %mul3A_102, %get3A_73 : vector<1x1024xf32>
    %add3A_104 = arith.addf %add3A_101, %mul3A_103 : vector<1x1024xf32>
    %add3A_105 = vector.broadcast %get3A_38 : f32 to vector<1x1024xf32>
    %add3A_106 = arith.addf %add3A_104, %add3A_105 : vector<1x1024xf32>
    %mul3A_107 = vector.broadcast %get3A_43 : f32 to vector<1x1024xf32>
    %mul3A_108 = arith.mulf %mul3A_107, %get3A_63 : vector<1x1024xf32>
    %mul3A_109 = vector.broadcast %get3A_48 : f32 to vector<1x1024xf32>
    %mul3A_110 = arith.mulf %mul3A_109, %get3A_68 : vector<1x1024xf32>
    %add3A_111 = arith.addf %mul3A_108, %mul3A_110 : vector<1x1024xf32>
    %mul3A_112 = vector.broadcast %get3A_53 : f32 to vector<1x1024xf32>
    %mul3A_113 = arith.mulf %mul3A_112, %get3A_73 : vector<1x1024xf32>
    %add3A_114 = arith.addf %add3A_111, %mul3A_113 : vector<1x1024xf32>
    %add3A_115 = vector.broadcast %get3A_58 : f32 to vector<1x1024xf32>
    %add3A_116 = arith.addf %add3A_114, %add3A_115 : vector<1x1024xf32>
    %sub3A = arith.subf %add3A_96, %get3A_78 : vector<1x1024xf32>
    %integer_pow3A = arith.mulf %sub3A, %sub3A : vector<1x1024xf32>
    %sub3A_117 = arith.subf %add3A_106, %get3A_83 : vector<1x1024xf32>
    %integer_pow3A_118 = arith.mulf %sub3A_117, %sub3A_117 : vector<1x1024xf32>
    %add3A_119 = arith.addf %integer_pow3A, %integer_pow3A_118 : vector<1x1024xf32>
    %sub3A_120 = arith.subf %add3A_116, %get3A_88 : vector<1x1024xf32>
    %integer_pow3A_121 = arith.mulf %sub3A_120, %sub3A_120 : vector<1x1024xf32>
    %add3A_122 = arith.addf %add3A_119, %integer_pow3A_121 : vector<1x1024xf32>
    %sqrt3A = math.sqrt %add3A_122 : vector<1x1024xf32>
    %swap3A = arith.constant 0 : index
    %swap3A_123 = arith.constant 0 : index
    %swap3A_124 = arith.constant 0 : index
    %swap3A_125 = vector.load %arg6[%swap3A, %swap3A_123, %swap3A_124] : memref<1x1x1024xf32, #tpu.memory_space<vmem>>, vector<1x1x1024xf32>
    %swap3A_126 = vector.shape_cast %swap3A_125 : vector<1x1x1024xf32> to vector<1x1024xf32>
    %swap3A_127 = vector.shape_cast %sqrt3A : vector<1x1024xf32> to vector<1x1x1024xf32>
    tpu.vector_store %arg6[%swap3A, %swap3A_123, %swap3A_124], %swap3A_127 {strides = array<i32>} : memref<1x1x1024xf32, #tpu.memory_space<vmem>>, vector<1x1x1024xf32>,
    %broadcast_in_dim3A = arith.constant 0x7F800000 : f32
    %broadcast_in_dim3A_128 = vector.broadcast %broadcast_in_dim3A : f32 to vector<1x1024xf32>
    %get3A_129 = arith.constant 0 : index
    %get3A_130 = arith.constant 0 : index
    %get3A_131 = arith.constant 0 : index
    %get3A_132 = vector.load %arg1[%get3A_129, %get3A_130, %get3A_131] : memref<1x1024x3xf32, #tpu.memory_space<vmem>>, vector<1x256x1xf32>
    %get3A_133 = vector.shape_cast %get3A_132 : vector<1x256x1xf32> to vector<256x1xf32>
    %get3A_134 = arith.constant 0 : index
    %get3A_135 = arith.constant 0 : index
    %get3A_136 = arith.constant 1 : index
    %get3A_137 = vector.load %arg1[%get3A_134, %get3A_135, %get3A_136] : memref<1x1024x3xf32, #tpu.memory_space<vmem>>, vector<1x256x1xf32>
    %get3A_138 = vector.shape_cast %get3A_137 : vector<1x256x1xf32> to vector<256x1xf32>
    %get3A_139 = arith.constant 0 : index
    %get3A_140 = arith.constant 0 : index
    %get3A_141 = arith.constant 2 : index
    %get3A_142 = vector.load %arg1[%get3A_139, %get3A_140, %get3A_141] : memref<1x1024x3xf32, #tpu.memory_space<vmem>>, vector<1x256x1xf32>
    %get3A_143 = vector.shape_cast %get3A_142 : vector<1x256x1xf32> to vector<256x1xf32>
    %sub3A_144 = vector.broadcast %get3A_133 : vector<256x1xf32> to vector<256x1024xf32>
    %sub3A_145 = vector.broadcast %add3A_96 : vector<1x1024xf32> to vector<256x1024xf32>
    %sub3A_146 = arith.subf %sub3A_144, %sub3A_145 : vector<256x1024xf32>
    %integer_pow3A_147 = arith.mulf %sub3A_146, %sub3A_146 : vector<256x1024xf32>
    %sub3A_148 = vector.broadcast %get3A_138 : vector<256x1xf32> to vector<256x1024xf32>
    %sub3A_149 = vector.broadcast %add3A_106 : vector<1x1024xf32> to vector<256x1024xf32>
    %sub3A_150 = arith.subf %sub3A_148, %sub3A_149 : vector<256x1024xf32>
    %integer_pow3A_151 = arith.mulf %sub3A_150, %sub3A_150 : vector<256x1024xf32>
    %add3A_152 = arith.addf %integer_pow3A_147, %integer_pow3A_151 : vector<256x1024xf32>
    %sub3A_153 = vector.broadcast %get3A_143 : vector<256x1xf32> to vector<256x1024xf32>
    %sub3A_154 = vector.broadcast %add3A_116 : vector<1x1024xf32> to vector<256x1024xf32>
    %sub3A_155 = arith.subf %sub3A_153, %sub3A_154 : vector<256x1024xf32>
    %integer_pow3A_156 = arith.mulf %sub3A_155, %sub3A_155 : vector<256x1024xf32>
    %add3A_157 = arith.addf %add3A_152, %integer_pow3A_156 : vector<256x1024xf32>
    %reduce_min3A = arith.constant dense<0x7F800000> : vector<1024xf32>
    %reduce_min3A_158 = vector.multi_reduction <minimumf>, %add3A_157, %reduce_min3A [0] : vector<256x1024xf32> to vector<1024xf32>
    %broadcast_in_dim3A_159 = vector.shape_cast %reduce_min3A_158 : vector<1024xf32> to vector<1x1024xf32>
    %min3A = arith.minimumf %broadcast_in_dim3A_128, %broadcast_in_dim3A_159 : vector<1x1024xf32>
    %get3A_160 = arith.constant 0 : index
    %get3A_161 = arith.constant 256 : index
    %get3A_162 = arith.constant 0 : index
    %get3A_163 = vector.load %arg1[%get3A_160, %get3A_161, %get3A_162] : memref<1x1024x3xf32, #tpu.memory_space<vmem>>, vector<1x256x1xf32>
    %get3A_164 = vector.shape_cast %get3A_163 : vector<1x256x1xf32> to vector<256x1xf32>
    %get3A_165 = arith.constant 0 : index
    %get3A_166 = arith.constant 256 : index
    %get3A_167 = arith.constant 1 : index
    %get3A_168 = vector.load %arg1[%get3A_165, %get3A_166, %get3A_167] : memref<1x1024x3xf32, #tpu.memory_space<vmem>>, vector<1x256x1xf32>
    %get3A_169 = vector.shape_cast %get3A_168 : vector<1x256x1xf32> to vector<256x1xf32>
    %get3A_170 = arith.constant 0 : index
    %get3A_171 = arith.constant 256 : index
    %get3A_172 = arith.constant 2 : index
    %get3A_173 = vector.load %arg1[%get3A_170, %get3A_171, %get3A_172] : memref<1x1024x3xf32, #tpu.memory_space<vmem>>, vector<1x256x1xf32>
    %get3A_174 = vector.shape_cast %get3A_173 : vector<1x256x1xf32> to vector<256x1xf32>
    %sub3A_175 = vector.broadcast %get3A_164 : vector<256x1xf32> to vector<256x1024xf32>
    %sub3A_176 = vector.broadcast %add3A_96 : vector<1x1024xf32> to vector<256x1024xf32>
    %sub3A_177 = arith.subf %sub3A_175, %sub3A_176 : vector<256x1024xf32>
    %integer_pow3A_178 = arith.mulf %sub3A_177, %sub3A_177 : vector<256x1024xf32>
    %sub3A_179 = vector.broadcast %get3A_169 : vector<256x1xf32> to vector<256x1024xf32>
    %sub3A_180 = vector.broadcast %add3A_106 : vector<1x1024xf32> to vector<256x1024xf32>
    %sub3A_181 = arith.subf %sub3A_179, %sub3A_180 : vector<256x1024xf32>
    %integer_pow3A_182 = arith.mulf %sub3A_181, %sub3A_181 : vector<256x1024xf32>
    %add3A_183 = arith.addf %integer_pow3A_178, %integer_pow3A_182 : vector<256x1024xf32>
    %sub3A_184 = vector.broadcast %get3A_174 : vector<256x1xf32> to vector<256x1024xf32>
    %sub3A_185 = vector.broadcast %add3A_116 : vector<1x1024xf32> to vector<256x1024xf32>
    %sub3A_186 = arith.subf %sub3A_184, %sub3A_185 : vector<256x1024xf32>
    %integer_pow3A_187 = arith.mulf %sub3A_186, %sub3A_186 : vector<256x1024xf32>
    %add3A_188 = arith.addf %add3A_183, %integer_pow3A_187 : vector<256x1024xf32>
    %reduce_min3A_189 = arith.constant dense<0x7F800000> : vector<1024xf32>
    %reduce_min3A_190 = vector.multi_reduction <minimumf>, %add3A_188, %reduce_min3A_189 [0] : vector<256x1024xf32> to vector<1024xf32>
    %broadcast_in_dim3A_191 = vector.shape_cast %reduce_min3A_190 : vector<1024xf32> to vector<1x1024xf32>
    %min3A_192 = arith.minimumf %min3A, %broadcast_in_dim3A_191 : vector<1x1024xf32>
    %get3A_193 = arith.constant 0 : index
    %get3A_194 = arith.constant 512 : index
    %get3A_195 = arith.constant 0 : index
    %get3A_196 = vector.load %arg1[%get3A_193, %get3A_194, %get3A_195] : memref<1x1024x3xf32, #tpu.memory_space<vmem>>, vector<1x256x1xf32>
    %get3A_197 = vector.shape_cast %get3A_196 : vector<1x256x1xf32> to vector<256x1xf32>
    %get3A_198 = arith.constant 0 : index
    %get3A_199 = arith.constant 512 : index
    %get3A_200 = arith.constant 1 : index
    %get3A_201 = vector.load %arg1[%get3A_198, %get3A_199, %get3A_200] : memref<1x1024x3xf32, #tpu.memory_space<vmem>>, vector<1x256x1xf32>
    %get3A_202 = vector.shape_cast %get3A_201 : vector<1x256x1xf32> to vector<256x1xf32>
    %get3A_203 = arith.constant 0 : index
    %get3A_204 = arith.constant 512 : index
    %get3A_205 = arith.constant 2 : index
    %get3A_206 = vector.load %arg1[%get3A_203, %get3A_204, %get3A_205] : memref<1x1024x3xf32, #tpu.memory_space<vmem>>, vector<1x256x1xf32>
    %get3A_207 = vector.shape_cast %get3A_206 : vector<1x256x1xf32> to vector<256x1xf32>
    %sub3A_208 = vector.broadcast %get3A_197 : vector<256x1xf32> to vector<256x1024xf32>
    %sub3A_209 = vector.broadcast %add3A_96 : vector<1x1024xf32> to vector<256x1024xf32>
    %sub3A_210 = arith.subf %sub3A_208, %sub3A_209 : vector<256x1024xf32>
    %integer_pow3A_211 = arith.mulf %sub3A_210, %sub3A_210 : vector<256x1024xf32>
    %sub3A_212 = vector.broadcast %get3A_202 : vector<256x1xf32> to vector<256x1024xf32>
    %sub3A_213 = vector.broadcast %add3A_106 : vector<1x1024xf32> to vector<256x1024xf32>
    %sub3A_214 = arith.subf %sub3A_212, %sub3A_213 : vector<256x1024xf32>
    %integer_pow3A_215 = arith.mulf %sub3A_214, %sub3A_214 : vector<256x1024xf32>
    %add3A_216 = arith.addf %integer_pow3A_211, %integer_pow3A_215 : vector<256x1024xf32>
    %sub3A_217 = vector.broadcast %get3A_207 : vector<256x1xf32> to vector<256x1024xf32>
    %sub3A_218 = vector.broadcast %add3A_116 : vector<1x1024xf32> to vector<256x1024xf32>
    %sub3A_219 = arith.subf %sub3A_217, %sub3A_218 : vector<256x1024xf32>
    %integer_pow3A_220 = arith.mulf %sub3A_219, %sub3A_219 : vector<256x1024xf32>
    %add3A_221 = arith.addf %add3A_216, %integer_pow3A_220 : vector<256x1024xf32>
    %reduce_min3A_222 = arith.constant dense<0x7F800000> : vector<1024xf32>
    %reduce_min3A_223 = vector.multi_reduction <minimumf>, %add3A_221, %reduce_min3A_222 [0] : vector<256x1024xf32> to vector<1024xf32>
    %broadcast_in_dim3A_224 = vector.shape_cast %reduce_min3A_223 : vector<1024xf32> to vector<1x1024xf32>
    %min3A_225 = arith.minimumf %min3A_192, %broadcast_in_dim3A_224 : vector<1x1024xf32>
    %get3A_226 = arith.constant 0 : index
    %get3A_227 = arith.constant 768 : index
    %get3A_228 = arith.constant 0 : index
    %get3A_229 = vector.load %arg1[%get3A_226, %get3A_227, %get3A_228] : memref<1x1024x3xf32, #tpu.memory_space<vmem>>, vector<1x256x1xf32>
    %get3A_230 = vector.shape_cast %get3A_229 : vector<1x256x1xf32> to vector<256x1xf32>
    %get3A_231 = arith.constant 0 : index
    %get3A_232 = arith.constant 768 : index
    %get3A_233 = arith.constant 1 : index
    %get3A_234 = vector.load %arg1[%get3A_231, %get3A_232, %get3A_233] : memref<1x1024x3xf32, #tpu.memory_space<vmem>>, vector<1x256x1xf32>
    %get3A_235 = vector.shape_cast %get3A_234 : vector<1x256x1xf32> to vector<256x1xf32>
    %get3A_236 = arith.constant 0 : index
    %get3A_237 = arith.constant 768 : index
    %get3A_238 = arith.constant 2 : index
    %get3A_239 = vector.load %arg1[%get3A_236, %get3A_237, %get3A_238] : memref<1x1024x3xf32, #tpu.memory_space<vmem>>, vector<1x256x1xf32>
    %get3A_240 = vector.shape_cast %get3A_239 : vector<1x256x1xf32> to vector<256x1xf32>
    %sub3A_241 = vector.broadcast %get3A_230 : vector<256x1xf32> to vector<256x1024xf32>
    %sub3A_242 = vector.broadcast %add3A_96 : vector<1x1024xf32> to vector<256x1024xf32>
    %sub3A_243 = arith.subf %sub3A_241, %sub3A_242 : vector<256x1024xf32>
    %integer_pow3A_244 = arith.mulf %sub3A_243, %sub3A_243 : vector<256x1024xf32>
    %sub3A_245 = vector.broadcast %get3A_235 : vector<256x1xf32> to vector<256x1024xf32>
    %sub3A_246 = vector.broadcast %add3A_106 : vector<1x1024xf32> to vector<256x1024xf32>
    %sub3A_247 = arith.subf %sub3A_245, %sub3A_246 : vector<256x1024xf32>
    %integer_pow3A_248 = arith.mulf %sub3A_247, %sub3A_247 : vector<256x1024xf32>
    %add3A_249 = arith.addf %integer_pow3A_244, %integer_pow3A_248 : vector<256x1024xf32>
    %sub3A_250 = vector.broadcast %get3A_240 : vector<256x1xf32> to vector<256x1024xf32>
    %sub3A_251 = vector.broadcast %add3A_116 : vector<1x1024xf32> to vector<256x1024xf32>
    %sub3A_252 = arith.subf %sub3A_250, %sub3A_251 : vector<256x1024xf32>
    %integer_pow3A_253 = arith.mulf %sub3A_252, %sub3A_252 : vector<256x1024xf32>
    %add3A_254 = arith.addf %add3A_249, %integer_pow3A_253 : vector<256x1024xf32>
    %reduce_min3A_255 = arith.constant dense<0x7F800000> : vector<1024xf32>
    %reduce_min3A_256 = vector.multi_reduction <minimumf>, %add3A_254, %reduce_min3A_255 [0] : vector<256x1024xf32> to vector<1024xf32>
    %broadcast_in_dim3A_257 = vector.shape_cast %reduce_min3A_256 : vector<1024xf32> to vector<1x1024xf32>
    %min3A_258 = arith.minimumf %min3A_225, %broadcast_in_dim3A_257 : vector<1x1024xf32>
    %sqrt3A_259 = math.sqrt %min3A_258 : vector<1x1024xf32>
    %swap3A_260 = arith.constant 0 : index
    %swap3A_261 = arith.constant 0 : index
    %swap3A_262 = arith.constant 0 : index
    %swap3A_263 = vector.load %arg5[%swap3A_260, %swap3A_261, %swap3A_262] : memref<1x1x1024xf32, #tpu.memory_space<vmem>>, vector<1x1x1024xf32>
    %swap3A_264 = vector.shape_cast %swap3A_263 : vector<1x1x1024xf32> to vector<1x1024xf32>
    %swap3A_265 = vector.shape_cast %sqrt3A_259 : vector<1x1024xf32> to vector<1x1x1024xf32>
    tpu.vector_store %arg5[%swap3A_260, %swap3A_261, %swap3A_262], %swap3A_265 {strides = array<i32>} : memref<1x1x1024xf32, #tpu.memory_space<vmem>>, vector<1x1x1024xf32>,
    return
  }
  func.func @transform_0(%arg0: i32) -> (i32, i32, i32) {
    %c0_i32 = arith.constant 0 : i32
    %c0_i32_0 = arith.constant 0 : i32
    %c0_i32_1 = arith.constant 0 : i32
    return %arg0, %c0_i32, %c0_i32_0 : i32, i32, i32
  }
  func.func @transform_1(%arg0: i32) -> (i32, i32, i32) {
    %c0_i32 = arith.constant 0 : i32
    %c0_i32_0 = arith.constant 0 : i32
    %c0_i32_1 = arith.constant 0 : i32
    return %arg0, %c0_i32, %c0_i32_0 : i32, i32, i32
  }
  func.func @transform_2(%arg0: i32) -> (i32, i32, i32) {
    %c0_i32 = arith.constant 0 : i32
    %c0_i32_0 = arith.constant 0 : i32
    %c0_i32_1 = arith.constant 0 : i32
    return %arg0, %c0_i32, %c0_i32_0 : i32, i32, i32
  }
  func.func @transform_3(%arg0: i32) -> (i32, i32, i32) {
    %c0_i32 = arith.constant 0 : i32
    %c0_i32_0 = arith.constant 0 : i32
    %c0_i32_1 = arith.constant 0 : i32
    return %arg0, %c0_i32, %c0_i32_0 : i32, i32, i32
  }
  func.func @transform_4(%arg0: i32) -> (i32, i32, i32) {
    %c0_i32 = arith.constant 0 : i32
    %c0_i32_0 = arith.constant 0 : i32
    %c0_i32_1 = arith.constant 0 : i32
    return %arg0, %c0_i32, %c0_i32_0 : i32, i32, i32
  }
  func.func @transform_5(%arg0: i32) -> (i32, i32, i32) {
    %c0_i32 = arith.constant 0 : i32
    %c0_i32_0 = arith.constant 0 : i32
    %c0_i32_1 = arith.constant 0 : i32
    return %arg0, %c0_i32, %c0_i32_0 : i32, i32, i32
  }
}

</mosaic_0001>

<sc_bundles>
// kernel: kernel.4.cloned.1.call-start
scs
__scs_entry_jumppad:
0x0: {  	(pc) =	sbr.rel $0x88, $3  }
0x1: {  	(tag) =	ssettag $0x0;
	lr =	simm.s32 $0x1  }
0x2: {  	[smem:$0x3F9D] =	sst lr;
	_ =	strace $0xD0000000  }
0x3: {  	_ = 	snop  }
0x4: {  	_ = 	snop  }
0x5: {  	_ = 	snop  }
0x6: {  	_ = 	snop  }
0x7: {  	_ = 	snop  }
__scs_overlays_trampoline_lowered:
0x8: {  	[smem:$0x3FAC] =	sst s0  }
0x9: {  	[smem:$0x3FAD] =	sst s1  }
0xa: {  	[smem:$0x3FAE] =	sst s2  }
0xb: {  	[smem:$0x3FAF] =	sst s3  }
0xc: {  	[smem:$0x3FB0] =	sst s4  }
0xd: {  	[smem:$0x3FB1] =	sst s5  }
0xe: {  	[smem:$0x3FB2] =	sst s6  }
0xf: {  	[smem:$0x3FB3] =	sst s7  }
0x10: {  	[smem:$0x3FB4] =	sst s8  }
0x11: {  	[smem:$0x3FB5] =	sst s9;
	s0 =	simm.s32 @!p0 $0x0  }
0x12: {  	s1 =	sld [smem:$0x3F9B];
	s0 =	simm.s32 @p0 $0x1  }
0x13: {  	[smem:$0x3FB6] =	sst s0;
	s0 =	simm.s32 @!p1 $0x0  }
0x14: {  	s2 =	sld [smem:$0x3F9A];
	s0 =	simm.s32 @p1 $0x1  }
0x15: {  	[smem:$0x3FB7] =	sst s0;
	s0 =	simm.s32 @!p2 $0x0  }
0x16: {  	s3 =	sld [smem:$0x3FDB];
	s0 =	simm.s32 @p2 $0x1  }
0x17: {  	s4 =	simm.s32 $0x1BF5;
	[smem:$0x3FB9] =	sst s0  }
0x18: {  	s0 =	sld [smem:$0x3F9C];
	_ =	swait.ge [sflag:s4], $0x0  }
0x19: {  	s7 =	sld [smem:$0x3F9D]  }
0x1a: {  	s8 =	sadd.s32 $0xFFFFE003, lr  }
0x1b: {  	s9 =	sadd.s32 $0xFFFFFEF7, lr;
	s5 =	simm.s32 $0xFFFFFFFF;
	p2 =	slt.u32 s8, $0xFFFFF086  }
0x1c: {  	p1 =	slt.u32 s9, $0xF7A;
	s5 =	simm.s32 @!p2 $0x0  }
0x1d: {  	s5 =	simm.s32 @p1 $0x1;
	p0 =	seq.s32 s7, s2  }
0x1e: {  	s7 =	smul.u32 @!p0 $0xF7A, s2;
	p2 =	seq.s32 @!p0 s5, $0x0  }
0x1f: {  	s9 =	smul.u32 $0xF7A, s1;
	s8 =	simm.s32 @!p0 $0x1BF5;
	p2 =	por !p2, p0  }
0x20: {  	[sflag:s8] =	ssyncset.s32 @!p0 $0xFFFFF086;
	s6 =	sadd.s32 @!p0 s3, s7;
	s7 =	simm.s32 @!p0 $0x108  }
0x21: {  	s3 =	sadd.s32 s3, s9;
	s6 =	sadd.s32 @!p0 $0x88, s6;
	s7 =	simm.s32 @p2 $0x1082  }
0x22: {  	[simem:s7], [sflag:s8] =	dma.local @!p0 [hbm:s6], $0xF7A  }
0x23: {  	s9 =	sor.u32 $0xD0000000, s2;
	s6 =	simm.s32 $0x108;
	_ =	swait.ge @!p0 [sflag:s8], $0x0  }
0x24: {  	s3 =	sadd.s32 $0x88, s3;
	s6 =	simm.s32 @!p1 $0x1082;
	[sflag:s4] =	ssyncset.s32 $0xFFFFF086  }
0x25: {  	[simem:s6], [sflag:s4] =	dma.local [hbm:s3], $0xF7A  }
0x26: {  	[smem:$0x3F9D] =	sst s1;
	(tag) =	ssettag s2;
	_ =	strace s9  }
0x27: {  	s1 =	sld [smem:$0x3FAD]  }
0x28: {  	s2 =	sld [smem:$0x3FAE]  }
0x29: {  	s4 =	sld [smem:$0x3FB0]  }
0x2a: {  	p0 =	seq.s32 s5, $0x0;
	s5 =	sld [smem:$0x3FB1]  }
0x2b: {  	s6 =	sld [smem:$0x3FB2]  }
0x2c: {  	s7 =	sld [smem:$0x3FB3]  }
0x2d: {  	s3 =	simm.s32 $0x108;
	s8 =	sld [smem:$0x3FB4]  }
0x2e: {  	s3 =	simm.s32 @!p0 $0x1082;
	s9 =	sld [smem:$0x3FB5]  }
0x2f: {  	lr =	sadd.s32 s0, s3;
	s0 =	sld [smem:$0x3FAC]  }
0x30: {  	s3 =	sld [smem:$0x3FAF]  }
0x31: {  	[smem:$0x3FB8] =	sst s10  }
0x32: {  	s10 =	sld [smem:$0x3FB6];
	_ =	sdelay $0x3  }
0x33: {  	p0 =	seq.s32 s10, $0x1;
	s10 =	sld [smem:$0x3FB8];
	_ =	sdelay $0x3  }
0x34: {  	[smem:$0x3FB8] =	sst s10  }
0x35: {  	s10 =	sld [smem:$0x3FB7];
	_ =	sdelay $0x3  }
0x36: {  	p1 =	seq.s32 s10, $0x1;
	s10 =	sld [smem:$0x3FB8];
	_ =	sdelay $0x3  }
0x37: {  	[smem:$0x3FB8] =	sst s10  }
0x38: {  	s10 =	sld [smem:$0x3FB9]  }
0x39: {  	_ = 	snop;
	(pc) =	sbr.ind lr, $3  }
0x3a: {  	_ = 	snop  }
0x3b: {  	_ = 	snop  }
0x3c: {  	p2 =	seq.s32 s10, $0x1;
	s10 =	sld [smem:$0x3FB8]  }
0x3d: {  	_ =	shalt  }
0x3e: {  	_ =	shalt  }
0x3f: {  	_ =	shalt  }
0x40: {  	_ =	shalt  }
0x41: {  	_ =	shalt  }
0x42: {  	_ =	shalt  }
0x43: {  	_ =	shalt  }
0x44: {  	_ =	shalt  }
0x45: {  	_ =	shalt  }
0x46: {  	_ =	shalt  }
0x47: {  	_ =	shalt  }
0x48: {  	_ =	shalt  }
0x49: {  	_ =	shalt  }
0x4a: {  	_ =	shalt  }
0x4b: {  	_ =	shalt  }
0x4c: {  	_ =	shalt  }
0x4d: {  	_ =	shalt  }
0x4e: {  	_ =	shalt  }
0x4f: {  	_ =	shalt  }
0x50: {  	_ =	shalt  }
0x51: {  	_ =	shalt  }
0x52: {  	_ =	shalt  }
0x53: {  	_ =	shalt  }
0x54: {  	_ =	shalt  }
0x55: {  	_ =	shalt  }
0x56: {  	_ =	shalt  }
0x57: {  	_ =	shalt  }
0x58: {  	_ =	shalt  }
0x59: {  	_ =	shalt  }
0x5a: {  	_ =	shalt  }
0x5b: {  	_ =	shalt  }
0x5c: {  	_ =	shalt  }
0x5d: {  	_ =	shalt  }
0x5e: {  	_ =	shalt  }
0x5f: {  	_ =	shalt  }
0x60: {  	_ =	shalt  }
0x61: {  	_ =	shalt  }
0x62: {  	_ =	shalt  }
0x63: {  	_ =	shalt  }
0x64: {  	_ =	shalt  }
0x65: {  	_ =	shalt  }
0x66: {  	_ =	shalt  }
0x67: {  	_ =	shalt  }
0x68: {  	_ =	shalt  }
0x69: {  	_ =	shalt  }
0x6a: {  	_ =	shalt  }
0x6b: {  	_ =	shalt  }
0x6c: {  	_ =	shalt  }
0x6d: {  	_ =	shalt  }
0x6e: {  	_ =	shalt  }
0x6f: {  	_ =	shalt  }
0x70: {  	_ =	shalt  }
0x71: {  	_ =	shalt  }
0x72: {  	_ =	shalt  }
0x73: {  	_ =	shalt  }
0x74: {  	_ =	shalt  }
0x75: {  	_ =	shalt  }
0x76: {  	_ =	shalt  }
0x77: {  	_ =	shalt  }
0x78: {  	_ =	shalt  }
0x79: {  	_ =	shalt  }
0x7a: {  	_ =	shalt  }
0x7b: {  	_ =	shalt  }
0x7c: {  	_ =	shalt  }
0x7d: {  	_ =	shalt  }
0x7e: {  	_ =	shalt  }
0x7f: {  	_ =	shalt  }
0x80: {  	_ =	shalt  }
0x81: {  	_ =	shalt  }
0x82: {  	_ =	shalt  }
0x83: {  	_ =	shalt  }
0x84: {  	_ =	shalt  }
0x85: {  	_ =	shalt  }
0x86: {  	_ =	shalt  }
0x87: {  	_ =	shalt  }
.Lfunc_end0:
.L_simem_size_0:
called_computation_lowered:
.L_overlay_start_0:
0x88: {  	s2 =	sld [smem:$0x3FD9]  }
0x89: {  	s3 =	sld [smem:$0x3FFE];
	_ =	sdelay $0x1  }
0x8a: {  	s1 =	srdreg.scid  }
0x8b: {  	s0 =	sand.u32 $0x1, s1  }
0x8c: {  	s17 =	sshll.u32 s0, $0xA;
	s2 =	sadd.s32 s3, s2  }
0x8d: {  	s2 =	sadd.s32 s2, s17  }
0x8e: {  	[smem:$0x3FC4] =	sst s2  }
0x8f: {  	_ = 	snop  }
0x90: {  	s2 =	sld [smem:$0x3FD0];
	(tm) =	ssettm $0x1  }
0x91: {  	s18 =	sld [smem:$0x3FFB];
	_ =	sdelay $0x3  }
0x92: {  	_ =	strace s18  }
0x93: {  	s3 =	sld [smem:$0x3FFC];
	_ =	sdelay $0x3  }
0x94: {  	_ =	strace s3  }
0x95: {  	s3 =	sld [smem:$0x3FFD];
	_ =	sdelay $0x3  }
0x96: {  	_ =	strace s3  }
0x97: {  	_ =	strace $0x8FFFFFFF  }
0x98: {  	s19 =	sld [smem:$0x3FDB];
	_ =	sdelay $0x1  }
0x99: {  	s4 =	simm.s32 $_scs_section_size  }
0x9a: {  	s5 =	simm.s32 $_size__tile_overlayer_lowered;
	s6 =	simm.s32 $_tile_overlayer_lowered  }
0x9b: {  	s22 =	simm.s32 $0x1BFF;
	s21 =	sshll.u32 s6, $0x1;
	s3 =	sadd.s32 s4, s19  }
0x9c: {  	s7 =	simm.s32 $0x0;
	s20 =	sshll.u32 s5, $0x1;
	s5 =	sadd.s32 s21, s3  }
0x9d: {  	[timem:s7], [sflag:s22] =	dma.local [hbm:s5], s20  }
0x9e: {  	_ =	swait.ge [sflag:s22], s20  }
0x9f: {  	s4 =	ssub.s32 $0x0, s20;
	[sflag:s22] =	ssyncset.done $0x0  }
0xa0: {  	[sflag:s22] =	ssyncadd.s32 s4;
	_ =	sdelay $0x1  }
0xa1: {  	s23 =	simm.s32 $0x1B8B  }
0xa2: {  	_ =	swait.ge [sflag:s23], $0x1  }
0xa3: {  	[sflag:s23] =	ssyncset.done $0x0  }
0xa4: {  	s25 =	simm.s32 $0x1B8E;
	s24 =	sld [smem:$0x3FFE];
	[sflag:s23] =	ssyncadd.s32 $0xFFFFFFFF  }
0xa5: {  	s26 =	simm.s32 $execute0_lowered;
	[smem:$0x3FD2] =	sst s25  }
0xa6: {  	s5 =	sshll.u32 s26, $0x1;
	_ =	strace $0x80000046;
	[dreg:$0x1] =	wrdreg $0xFFFFFFFF  }
0xa7: {  	s28 =	simm.s32 $_size_execute0_lowered;
	s3 =	sadd.s32 s3, s5;
	[dreg:$0x0] =	wrdreg $0x0  }
0xa8: {  	s5 =	sshll.u32 s28, $0x1;
	[dreg:$0x2] =	wrdreg s3  }
0xa9: {  	[dreg:$0x3] =	wrdreg s5  }
0xaa: {  	[dreg:$0x4] =	wrdreg $0xC0  }
0xab: {  	_ =	task [dreg:s7], $0x5FFFF  }
0xac: {  	[dreg:$0x1] =	wrdreg $0xFFFFFFFF  }
0xad: {  	[dreg:$0x0] =	wrdreg $0x60  }
0xae: {  	[dreg:$0x2] =	wrdreg s24  }
0xaf: {  	[dreg:$0x3] =	wrdreg s2  }
0xb0: {  	[dreg:$0x4] =	wrdreg $0x9  }
0xb1: {  	_ =	task.clear_ibuf [dreg:s7], $0x5FFFF;
	_ =	strace $0x90000046  }
0xb2: {  	s29 =	simm.s32 $0x9;
	_ =	strace $0x80000048  }
0xb3: {  	_ =	swait.ge [sflag:s29], $0x1  }
0xb4: {  	[sflag:s29] =	ssyncadd.s32 $0xFFFFFFFF  }
0xb5: {  	_ =	strace $0x90000048  }
0xb6: {  	_ =	sfence  }
0xb7: {  	s30 =	sld [smem:$0x0];
	_ =	sdelay $0x2  }
0xb8: {  	s31 =	sshll.u32 s1, $0xD;
	s1 =	sshrl.u32 s1, $0x2  }
0xb9: {  	s3 =	sand.u32 $0x4000, s31;
	s1 =	sadd.s32 s1, s30  }
0xba: {  	s0 =	sor.u32 s3, s0;
	s1 =	sshll.u32 s1, $0x11  }
0xbb: {  	s0 =	sor.u32 s1, s0  }
0xbc: {  	s0 =	sadd.s32 $0x8F2B, s0  }
0xbd: {  	[sflag:s0] =	ssyncadd.remote.s32 $0x1  }
0xbe: {  	_ =	sfence.sel $0xFFFF  }
0xbf: {  	[dreg:$0x0] =	wrdreg $0xFFFFFFFF;
	(pc) =	sbr.abs _section_cstart, $3  }
0xc0: {  	[dreg:$0x1] =	wrdreg $0xFFFFFFFF  }
0xc1: {  	_ =	task.clear_ibuf [dreg:s7], $0x2FFFF;
	_ =	strace $0x9FFFFFFF  }
0xc2: {  	(tm) =	ssettm $0x7FFFFFFF  }
0xc3: {  	_ =	shalt  }
tec
execute0_lowered:
.L_overlay_start_1:
0x0: {  	(tag) =	ssettag $0x1  }
0x1: {  	s0 =	srdreg.scid;
	s1 =	rddreg [dreg:$0x0]  }
0x2: {  	s11 =	rddreg [dreg:$0x1];
	s4 =	stileid.u32;
	s5 =	simm.s32 $0x1  }
0x3: {  	s31 =	simm.s32 $0xF00;
	s23 =	simm.s32 $0xF80;
	s0 =	sand.u32 $0x1, s0  }
0x4: {  	s10 =	sadd.s32 $0x600, s1;
	s2 =	sshll.u32 s0, $0x4;
	s0 =	ssub.s32 $0x2, s0  }
0x5: {  	s3 =	sor.u32 s4, s2;
	s4 =	sand.u32 $0x7, s4;
	s2 =	simm.s32 $0x0  }
0x6: {  	s25 =	sshrl.u32 s0, $0x1;
	p0 =	seq.s32 s3, $0x0;
	p1 =	sne.s32 s4, $0x0  }
0x7: {  	[smem:$0x7FF] =	sst s2;
	s6 =	sshrl.u32 s3, $0x3;
	s3 =	sshll.u32 s3, $0x1  }
0x8: {  	s0 =	ssub.s32 s0, s25;
	s4 =	sshll.u32 s4, $0x7;
	s25 =	simm.s32 $0x1480  }
0x9: {  	p0 =	por !p1, !p0;
	_ =	strace $0x80000047;
	s21 =	sadd.s32 s3, s1  }
0xa: {  	s3 =	simm.s32 $0x1;
	s15 =	sor.u32 $0x40, s4;
	p0 =	por !p0, !p0  }
0xb: {  	s16 =	sor.u32 $0x50, s4;
	s17 =	sor.u32 $0x60, s4;
	s5 =	simm.s32 @!p0 $0x0  }
0xc: {  	s18 =	sor.u32 $0x70, s4;
	s19 =	sadd.s32 $0x80, s4;
	s9 =	ssub.s32 s6, s5  }
0xd: {  	s22 =	smax.u32 s0, $0x1;
	s0 =	simm.s32 $0x480;
	s12 =	smul.u32 $0xC00, s9  }
0xe: {  	s20 =	sadd.s32 $0xC00, s21;
	s21 =	sadd.s32 $0xE00, s21;
	s14 =	sshll.u32 s9, $0x1  }
0xf: {  	s30 =	sand.u32 $0x1FFFFFFE, s14;
	s14 =	sor.u32 $0x30, s4;
	s26 =	sshrl.u32 s12, $0x3  }
0x10: {  	s28 =	sor.u32 s4, s12;
	s7 =	sadd.s32 $0x400, s12;
	s12 =	sadd.s32 $0x800, s12  }
0x11: {  	s11 =	sadd.s32 s11, s30;
	s5 =	sadd.s32 s1, s26;
	s6 =	sshrl.u32 s28, $0x3  }
0x12: {  	s8 =	sor.u32 s4, s7;
	s7 =	sshrl.u32 s7, $0x3;
	s13 =	sshrl.u32 s12, $0x3  }
0x13: {  	s12 =	sor.u32 s4, s12;
	s26 =	simm.s32 $0x0;
	s6 =	sadd.s32 s10, s6  }
0x14: {  	s8 =	sshrl.u32 s8, $0x3;
	s7 =	sadd.s32 s1, s7;
	s9 =	sadd.s32 s1, s13  }
0x15: {  	s29 =	sshrl.u32 s12, $0x3;
	s12 =	sor.u32 $0x10, s4;
	s13 =	sor.u32 $0x20, s4  }
0x16: {  	s1 =	simm.s32 $0x900;
	s8 =	sadd.s32 s10, s8;
	s10 =	sadd.s32 s10, s29  }
.LBB2_1:
0x17: {  	s24 =	simm.s32 $0x10  }
0x18: {  	[tilespmem:s24], [sflag:$0x1] =	stream.linear.gather [hbm4b:s5+s2], $0x400, $0x38;
	[tilespmem:$0x1500] =	vst v63  }
0x19: {  	_ =	swait.ge [sflag:s3], $0x400  }
0x1a: {  	[sflag:s3] =	ssyncset.done $0x0  }
0x1b: {  	s24 =	simm.s32 $0xD80;
	[sflag:s3] =	ssyncadd.s32 $0xFFFFFC00  }
0x1c: {  	[tilespmem:s24], [sflag:$0x1] =	stream.linear.gather [hbm4b:s6+s2], $0x80, $0x38;
	[tilespmem:$0x1500] =	vst v63  }
0x1d: {  	_ =	swait.ge [sflag:s3], $0x80  }
0x1e: {  	[sflag:s3] =	ssyncset.done $0x0  }
0x1f: {  	s24 =	simm.s32 $0x490;
	[sflag:s3] =	ssyncadd.s32 $0xFFFFFF80  }
0x20: {  	[tilespmem:s24], [sflag:$0x1] =	stream.linear.gather [hbm4b:s7+s2], $0x400, $0x38;
	[tilespmem:$0x1500] =	vst v63  }
0x21: {  	_ =	swait.ge [sflag:s3], $0x400  }
0x22: {  	[sflag:s3] =	ssyncset.done $0x0  }
0x23: {  	s24 =	simm.s32 $0xE00;
	[sflag:s3] =	ssyncadd.s32 $0xFFFFFC00  }
0x24: {  	[tilespmem:s24], [sflag:$0x1] =	stream.linear.gather [hbm4b:s8+s2], $0x80, $0x38;
	[tilespmem:$0x1500] =	vst v63  }
0x25: {  	_ =	swait.ge [sflag:s3], $0x80  }
0x26: {  	[sflag:s3] =	ssyncset.done $0x0  }
0x27: {  	s24 =	simm.s32 $0x910;
	[sflag:s3] =	ssyncadd.s32 $0xFFFFFF80  }
0x28: {  	[tilespmem:s24], [sflag:$0x1] =	stream.linear.gather [hbm4b:s9+s2], $0x400, $0x38;
	[tilespmem:$0x1500] =	vst v63  }
0x29: {  	_ =	swait.ge [sflag:s3], $0x400  }
0x2a: {  	[sflag:s3] =	ssyncset.done $0x0  }
0x2b: {  	s24 =	simm.s32 $0xE80;
	[sflag:s3] =	ssyncadd.s32 $0xFFFFFC00  }
0x2c: {  	[tilespmem:s24], [sflag:$0x1] =	stream.linear.gather [hbm4b:s10+s2], $0x80, $0x38;
	[tilespmem:$0x1500] =	vst v63  }
0x2d: {  	_ =	swait.ge [sflag:s3], $0x80  }
0x2e: {  	[sflag:s3] =	ssyncset.done $0x0  }
0x2f: {  	v0 =	vimm.s32 $0x10;
	s24 =	simm.s32 $0xF10;
	[sflag:s3] =	ssyncadd.s32 $0xFFFFFF80  }
0x30: {  	[tilespmem:s24], [sflag:$0x1] =	stream.linear.gather [hbm4b:s11+s2], $0x10, $0x38;
	[tilespmem:$0x1500] =	vst v63  }
0x31: {  	_ =	swait.ge [sflag:s3], $0x10  }
0x32: {  	[sflag:s3] =	ssyncset.done $0x0  }
0x33: {  	[sflag:s3] =	ssyncadd.s32 $0xFFFFFFF0  }
0x34: {  	v7 =	vld.idx.msk [tilespmem:v0+s31+$0x0], $0xffff;
	v0 =	vimm.s32 $0x11;
	_ =	sdelay $0x4  }
0x35: {  	v8 =	vld.idx.msk [tilespmem:v0+s31+$0x0], $0xffff;
	v0 =	vimm.s32 $0x12;
	_ =	sdelay $0x4  }
0x36: {  	v4 =	vld.idx.msk [tilespmem:v0+s31+$0x0], $0xffff;
	v0 =	vimm.s32 $0x13;
	_ =	sdelay $0x4  }
0x37: {  	v1 =	vld.idx.msk [tilespmem:v0+s31+$0x0], $0xffff;
	v0 =	vimm.s32 $0x14;
	_ =	sdelay $0x3  }
0x38: {  	v2 =	vimm.s32 $0x17  }
0x39: {  	v10 =	vld.idx.msk [tilespmem:v0+s31+$0x0], $0xffff;
	v0 =	vimm.s32 $0x15;
	_ =	sdelay $0x3  }
0x3a: {  	v3 =	vld.idx.msk [tilespmem:v2+s31+$0x0], $0xffff;
	v2 =	vimm.s32 $0x18  }
0x3b: {  	v11 =	vld.idx.msk [tilespmem:v0+s31+$0x0], $0xffff;
	v0 =	vimm.s32 $0x16;
	_ =	sdelay $0x1  }
0x3c: {  	s28 =	simm.s32 $0x0  }
0x3d: {  	v12 =	vld [tilespmem:s28+$0x490]  }
0x3e: {  	v5 =	vld.idx.msk [tilespmem:v2+s31+$0x0], $0xffff  }
0x3f: {  	v2 =	vimm.s32 $0x19;
	v9 =	vld.idx.msk [tilespmem:v0+s31+$0x0], $0xffff  }
0x40: {  	v0 =	vld [tilespmem:s28+$0x10];
	_ =	sdelay $0x2  }
0x41: {  	v13 =	vld [tilespmem:s28+$0x910]  }
0x42: {  	v6 =	vld.idx.msk [tilespmem:v2+s31+$0x0], $0xffff;
	v2 =	vimm.s32 $0x1A  }
0x43: {  	s29 =	simm.s32 $0x10;
	v15 =	vmul.f32 v12, v12;
	v14 =	vmul.f32 v0, v0;
	v0 =	vimm.s32 $0x1B  }
0x44: {  	v12 =	vld [tilespmem:s29+$0x10]  }
0x45: {  	v15 =	vadd.f32 v15, v14;
	v14 =	vld [tilespmem:s29+$0x490]  }
0x46: {  	v16 =	vmul.f32 v13, v13;
	v13 =	vld [tilespmem:s29+$0x910]  }
0x47: {  	v2 =	vld.idx.msk [tilespmem:v2+s31+$0x0], $0xffff  }
0x48: {  	s30 =	simm.s32 $0x80;
	v15 =	vadd.f32 v16, v15;
	v0 =	vld.idx.msk [tilespmem:v0+s31+$0x0], $0xffff  }
.LBB2_2:
0x49: {  	s24 =	sshra.s32 s30, $0x2;
	p0 =	sne.s32 s30, $0xFC0  }
.Ltmp0:
0x4a: {  	s30 =	sadd.s32 $0x40, s30;
	v16 =	vmul.f32 v12, v12;
	v12 =	vld [tilespmem:s24+$0x10];
	v17 =	vmul.f32 v14, v14;
	[tilespmem:s28+$0xF90] =	vst v15;
	(pc) =	sbr.rel @p0 .LBB2_2-.Ltmp0, $4  }
0x4b: {  	s28 =	smov.u32 s29;
	s29 =	smov.u32 s24;
	v14 =	vld [tilespmem:s24+$0x490]  }
0x4c: {  	v15 =	vadd.f32 v17, v16;
	v16 =	vmul.f32 v13, v13  }
0x4d: {  	v13 =	vld [tilespmem:s29+$0x910]  }
0x4e: {  	v15 =	vadd.f32 v16, v15  }
0x4f: {  	_ = 	snop  }
0x50: {  	v12 =	vmul.f32 v12, v12;
	v14 =	vmul.f32 v14, v14;
	_ =	sdelay $0x1  }
0x51: {  	v12 =	vadd.f32 v14, v12;
	v13 =	vmul.f32 v13, v13;
	_ =	sdelay $0x1  }
0x52: {  	v12 =	vadd.f32 v13, v12  }
0x53: {  	[tilespmem:s28+$0xF90] =	vst v15  }
0x54: {  	[tilespmem:s29+$0xF90] =	vst v12  }
0x55: {  	v12 =	vld [tilespmem:$0xD80]  }
0x56: {  	v13 =	vld [tilespmem:$0xE00];
	_ =	sdelay $0x1  }
0x57: {  	v14 =	vld [tilespmem:$0xE80];
	_ =	sdelay $0x1  }
0x58: {  	v15 =	vld [tilespmem:$0xD90];
	v16 =	vmul.f32 v12, v7  }
0x59: {  	v18 =	vld [tilespmem:$0xE10];
	v17 =	vmul.f32 v13, v8;
	v19 =	vmul.f32 v12, v10  }
0x5a: {  	v20 =	vmul.f32 v13, v11;
	v12 =	vmul.f32 v12, v5  }
0x5b: {  	v21 =	vld [tilespmem:$0xE90];
	v13 =	vmul.f32 v13, v6;
	v16 =	vadd.f32 v17, v16;
	v17 =	vmul.f32 v14, v4  }
0x5c: {  	v19 =	vadd.f32 v20, v19;
	v20 =	vmul.f32 v14, v9  }
0x5d: {  	v12 =	vadd.f32 v13, v12;
	v13 =	vmul.f32 v14, v2;
	v16 =	vadd.f32 v17, v16  }
0x5e: {  	v17 =	vadd.f32 v20, v19;
	v19 =	vmul.f32 v15, v7;
	v20 =	vmul.f32 v18, v8  }
0x5f: {  	v12 =	vadd.f32 v13, v12  }
0x60: {  	v22 =	vadd.f32 v16, v1;
	v14 =	vadd.f32 v20, v19;
	v16 =	vmul.f32 v21, v4  }
0x61: {  	v13 =	vmul.f32 v15, v10;
	v23 =	vadd.f32 v17, v3;
	v17 =	vmul.f32 v18, v11;
	v19 =	vld [tilespmem:$0xDA0]  }
0x62: {  	v15 =	vmul.f32 v15, v5;
	v14 =	vadd.f32 v16, v14;
	v16 =	vmul.f32 v18, v6;
	v18 =	vld [tilespmem:$0xE20]  }
0x63: {  	v20 =	vadd.f32 v12, v0;
	v12 =	vadd.f32 v17, v13;
	v13 =	vmul.f32 v21, v9  }
0x64: {  	v17 =	vadd.f32 v14, v1;
	v14 =	vadd.f32 v16, v15;
	v15 =	vmul.f32 v21, v2;
	v16 =	vld [tilespmem:$0xEA0]  }
0x65: {  	v35 =	vmul.f32 $-2.000000000e+00, v22;
	v32 =	vmul.f32 $-2.000000000e+00, v23;
	v12 =	vadd.f32 v13, v12;
	v13 =	vld [tilespmem:$0xDB0]  }
0x66: {  	[tilespmem:$0x1FCB0] =	vst v23;
	v33 =	vmul.f32 $-2.000000000e+00, v20;
	v14 =	vadd.f32 v15, v14;
	v36 =	vmul.f32 $-2.000000000e+00, v17;
	v15 =	vld [tilespmem:$0xE30]  }
0x67: {  	[tilespmem:$0x1FCD0] =	vst v17;
	v23 =	vadd.f32 v12, v3;
	v12 =	vmul.f32 v19, v7;
	v17 =	vmul.f32 v18, v8  }
0x68: {  	[tilespmem:$0x1FCC0] =	vst v20;
	v21 =	vld [tilespmem:$0xEB0];
	v20 =	vmul.f32 v18, v11;
	v26 =	vadd.f32 v14, v0;
	v14 =	vmul.f32 v19, v10  }
0x69: {  	v18 =	vmul.f32 v18, v6;
	v12 =	vadd.f32 v17, v12;
	v17 =	vmul.f32 v16, v4  }
0x6a: {  	[tilespmem:$0x1FCA0] =	vst v22;
	v19 =	vmul.f32 v19, v5;
	v22 =	vmul.f32 v16, v9;
	v14 =	vadd.f32 v20, v14  }
0x6b: {  	v12 =	vadd.f32 v17, v12;
	v17 =	vmul.f32 v13, v7;
	v20 =	vmul.f32 v15, v8  }
0x6c: {  	v16 =	vmul.f32 v16, v2;
	v18 =	vadd.f32 v18, v19;
	v19 =	vld [tilespmem:$0xDC0];
	v14 =	vadd.f32 v22, v14  }
0x6d: {  	v25 =	vadd.f32 v12, v1;
	v12 =	vadd.f32 v20, v17;
	v17 =	vmul.f32 v21, v4;
	v20 =	vld [tilespmem:$0xE40]  }
0x6e: {  	v37 =	vmul.f32 $-2.000000000e+00, v23;
	v28 =	vadd.f32 v14, v3;
	v14 =	vadd.f32 v16, v18  }
0x6f: {  	v16 =	vmul.f32 v13, v10;
	v18 =	vld [tilespmem:$0xEC0];
	v13 =	vmul.f32 v13, v5;
	v12 =	vadd.f32 v17, v12  }
0x70: {  	v17 =	vmul.f32 v15, v11;
	v29 =	vadd.f32 v14, v0;
	v14 =	vmul.f32 v21, v9  }
0x71: {  	v27 =	vadd.f32 v12, v1;
	v12 =	vmul.f32 v15, v6;
	v15 =	vmul.f32 v21, v2  }
0x72: {  	v24 =	vld [tilespmem:$0xE50];
	v16 =	vadd.f32 v17, v16;
	v17 =	vmul.f32 v19, v7;
	v21 =	vmul.f32 v20, v8  }
0x73: {  	[tilespmem:$0x1FCE0] =	vst v23;
	v22 =	vld [tilespmem:$0xDD0];
	v23 =	vmul.f32 v20, v11;
	v12 =	vadd.f32 v12, v13;
	v13 =	vmul.f32 v19, v10  }
0x74: {  	v14 =	vadd.f32 v14, v16;
	v16 =	vadd.f32 v21, v17;
	v17 =	vmul.f32 v18, v4  }
0x75: {  	v21 =	vld [tilespmem:$0xED0];
	v12 =	vadd.f32 v15, v12;
	v13 =	vadd.f32 v23, v13;
	v15 =	vmul.f32 v18, v9  }
0x76: {  	v34 =	vmul.f32 $-2.000000000e+00, v25;
	v30 =	vadd.f32 v14, v3;
	v14 =	vadd.f32 v17, v16  }
0x77: {  	v42 =	vmul.f32 $-2.000000000e+00, v28;
	v17 =	vld [tilespmem:$0xE60];
	v31 =	vadd.f32 v12, v0;
	v12 =	vadd.f32 v15, v13  }
0x78: {  	v13 =	vmul.f32 v22, v7;
	v23 =	vadd.f32 v14, v1;
	v14 =	vmul.f32 v24, v8  }
0x79: {  	[tilespmem:$0x1FD00] =	vst v28;
	v16 =	vmul.f32 v20, v6;
	v15 =	vld [tilespmem:$0xDE0];
	v28 =	vadd.f32 v12, v3;
	v12 =	vmul.f32 v19, v5  }
0x7a: {  	v19 =	vmul.f32 v24, v11;
	v13 =	vadd.f32 v14, v13;
	v14 =	vmul.f32 v21, v4  }
0x7b: {  	v20 =	vld [tilespmem:$0xEE0];
	v47 =	vmul.f32 $-2.000000000e+00, v23;
	v12 =	vadd.f32 v16, v12;
	v16 =	vmul.f32 v22, v10  }
0x7c: {  	[tilespmem:$0x1FD10] =	vst v23;
	v23 =	vmul.f32 v17, v8;
	v13 =	vadd.f32 v14, v13;
	v14 =	vmul.f32 v21, v9  }
0x7d: {  	v16 =	vadd.f32 v19, v16;
	v19 =	vmul.f32 v22, v5;
	v22 =	vmul.f32 v24, v6  }
0x7e: {  	[tilespmem:$0x1FCF0] =	vst v25;
	v51 =	vmul.f32 $-2.000000000e+00, v28;
	v25 =	vadd.f32 v13, v1;
	v13 =	vmul.f32 v15, v7  }
0x7f: {  	v24 =	vld [tilespmem:$0xE70];
	v14 =	vadd.f32 v14, v16;
	v16 =	vadd.f32 v22, v19;
	v19 =	vmul.f32 v21, v2  }
0x80: {  	v21 =	vmul.f32 v20, v4;
	v13 =	vadd.f32 v23, v13;
	v23 =	vmul.f32 v17, v11  }
0x81: {  	v22 =	vld [tilespmem:$0xDF0];
	v17 =	vmul.f32 v17, v6;
	v56 =	vmul.f32 $-2.000000000e+00, v25  }
0x82: {  	[tilespmem:$0x1FD20] =	vst v28;
	v28 =	vadd.f32 v14, v3;
	v14 =	vmul.f32 v15, v10;
	v16 =	vadd.f32 v19, v16  }
0x83: {  	v19 =	vmul.f32 v20, v9;
	v15 =	vmul.f32 v15, v5;
	v13 =	vadd.f32 v21, v13;
	v21 =	vld [tilespmem:$0xEF0]  }
0x84: {  	s28 =	simm.s32 $0x10;
	v11 =	vmul.f32 v24, v11;
	v8 =	vmul.f32 v24, v8  }
0x85: {  	v14 =	vadd.f32 v23, v14;
	v23 =	vadd.f32 v16, v0;
	v16 =	vmov s28  }
0x86: {  	s24 =	simm.s32 $0x11;
	[tilespmem:$0x1FD30] =	vst v25;
	v25 =	vadd.f32 v13, v1;
	v10 =	vmul.f32 v22, v10;
	v7 =	vmul.f32 v22, v7  }
0x87: {  	v13 =	vadd.f32 v19, v14;
	v14 =	vadd.f32 v17, v15;
	v15 =	vmov s24  }
0x88: {  	v16 =	vand.u32 $0xFFFFFFFE, v16;
	v10 =	vadd.f32 v11, v10;
	v9 =	vmul.f32 v21, v9  }
0x89: {  	v11 =	vbroadcast v16, $0x0;
	v16 =	vmul.f32 v20, v2  }
0x8a: {  	v7 =	vadd.f32 v8, v7;
	v4 =	vmul.f32 v21, v4;
	v8 =	vadd.f32 v9, v10  }
0x8b: {  	v13 =	vadd.f32 v13, v3;
	v9 =	vadd.f32 v16, v14  }
0x8c: {  	v18 =	vmul.f32 v18, v2;
	v4 =	vadd.f32 v4, v7;
	v7 =	vld.idx.msk [tilespmem:v15+s2+$0x0], $0xffff;
	v8 =	vadd.f32 v8, v3  }
0x8d: {  	v10 =	vld.idx.msk [tilespmem:v15+s0+$0x0], $0xffff;
	v3 =	vmul.f32 v22, v5;
	v5 =	vmul.f32 v24, v6;
	v16 =	vadd.f32 v9, v0  }
0x8e: {  	v9 =	vadd.f32 v4, v1;
	v4 =	vld.idx.msk [tilespmem:v15+s23+$0x0], $0xffff;
	v6 =	vadd.f32 v18, v12  }
0x8f: {  	v2 =	vmul.f32 v21, v2;
	v5 =	vadd.f32 v5, v3  }
0x90: {  	v52 =	vld.idx.msk [tilespmem:v15+s1+$0x0], $0xffff;
	v24 =	vadd.f32 v6, v0  }
0x91: {  	v2 =	vadd.f32 v2, v5;
	v5 =	vmul.f32 $-2.000000000e+00, v9;
	v6 =	vmul.f32 v7, v35  }
0x92: {  	v14 =	vld.idx.msk [tilespmem:v11+s2+$0x0], $0xffff;
	v63 =	vmul.f32 $-2.000000000e+00, v8;
	v12 =	vmul.f32 v10, v32  }
0x93: {  	v57 =	vld.idx.msk [tilespmem:v11+s23+$0x0], $0xffff;
	v20 =	vadd.f32 v2, v0;
	v2 =	vmul.f32 v7, v5;
	v6 =	vadd.f32 v4, v6  }
0x94: {  	v60 =	vmul.f32 $-2.000000000e+00, v28;
	v19 =	vld.idx.msk [tilespmem:v11+s0+$0x0], $0xffff;
	[tilespmem:$0x1FD70] =	vst v8;
	v8 =	vmul.f32 v10, v63  }
0x95: {  	[tilespmem:$0x1FDA0] =	vst v9;
	v9 =	vmul.f32 v52, v33;
	v2 =	vadd.f32 v4, v2;
	v6 =	vadd.f32 v6, v12  }
0x96: {  	v62 =	vmul.f32 $-2.000000000e+00, v25;
	v1 =	vmul.f32 $-2.000000000e+00, v13  }
0x97: {  	[tilespmem:$0x1FD80] =	vst v13;
	v3 =	vmul.f32 $-2.000000000e+00, v16;
	v50 =	vadd.f32 v6, v9;
	v9 =	vadd.f32 v2, v8;
	v2 =	vld [tilespmem:s12+$0x480]  }
0x98: {  	[tilespmem:$0x1FD90] =	vst v16;
	v16 =	vmul.f32 v7, v36;
	v13 =	vmul.f32 v14, v56  }
0x99: {  	v21 =	vld [tilespmem:s12+$0x0];
	v18 =	vmul.f32 v7, v62  }
0x9a: {  	v13 =	vadd.f32 v57, v13;
	v12 =	vadd.f32 v4, v16;
	v16 =	vmul.f32 v19, v60;
	_ =	sdelay $0x1  }
0x9b: {  	v15 =	vmul.f32 v10, v1;
	v8 =	vadd.f32 v13, v16;
	v16 =	vadd.f32 v4, v18;
	[tilespmem:$0x1FDC0] =	vst v2;
	v2 =	vld [tilespmem:s12+$0x900]  }
0x9c: {  	v11 =	vld.idx.msk [tilespmem:v11+s1+$0x0], $0xffff  }
0x9d: {  	[tilespmem:$0x1FDB0] =	vst v21;
	v21 =	vadd.f32 v16, v15;
	v15 =	vld [tilespmem:s13+$0x900]  }
0x9e: {  	v0 =	vmul.f32 v10, v37;
	v6 =	vmul.f32 v14, v62;
	_ =	sdelay $0x1  }
0x9f: {  	v18 =	vmul.f32 v19, v1;
	[tilespmem:$0x1FDD0] =	vst v2;
	v2 =	vadd.f32 v12, v0;
	v0 =	vadd.f32 v57, v6  }
0xa0: {  	v61 =	vmul.f32 $-2.000000000e+00, v23  }
0xa1: {  	[tilespmem:$0x1FE00] =	vst v15;
	v15 =	vmul.f32 v11, v3;
	v6 =	vld [tilespmem:s13+$0x0];
	v0 =	vadd.f32 v0, v18  }
0xa2: {  	v13 =	vmul.f32 v11, v61  }
0xa3: {  	v22 =	vadd.f32 v0, v15;
	v0 =	vld [tilespmem:s14+$0x480]  }
0xa4: {  	v17 =	vmul.f32 v14, v34;
	v8 =	vadd.f32 v8, v13;
	v13 =	vld [tilespmem:s13+$0x480];
	_ =	sdelay $0x1  }
0xa5: {  	v58 =	vmul.f32 $-2.000000000e+00, v29;
	v12 =	vadd.f32 v57, v17;
	[tilespmem:$0x1FDE0] =	vst v6;
	v6 =	vmul.f32 v19, v42;
	_ =	sdelay $0x1  }
0xa6: {  	v6 =	vadd.f32 v12, v6;
	[tilespmem:$0x1FE40] =	vst v0;
	v0 =	vmul.f32 v11, v58  }
0xa7: {  	[tilespmem:$0x1FDF0] =	vst v13;
	v13 =	vmul.f32 v7, v47;
	v15 =	vld [tilespmem:s14+$0x900]  }
0xa8: {  	[tilespmem:$0x1FD50] =	vst v23;
	v23 =	vadd.f32 v6, v0;
	v0 =	vld [tilespmem:s15+$0x0]  }
0xa9: {  	v16 =	vadd.f32 v4, v13;
	v17 =	vmul.f32 v10, v51  }
0xaa: {  	v13 =	vmul.f32 $-2.000000000e+00, v30;
	v18 =	vld [tilespmem:s15+$0x900]  }
0xab: {  	[tilespmem:$0x1FE10] =	vst v29;
	v29 =	vadd.f32 v16, v17;
	v17 =	vmul.f32 v7, v34  }
0xac: {  	v16 =	vmul.f32 v10, v13;
	v12 =	vld [tilespmem:s14+$0x0];
	[tilespmem:$0x1FE60] =	vst v15;
	v15 =	vmul.f32 v10, v60  }
0xad: {  	v6 =	vmul.f32 v14, v47;
	[tilespmem:$0x1FE80] =	vst v0;
	v0 =	vmul.f32 v10, v42;
	v10 =	vadd.f32 v4, v17;
	v17 =	vld [tilespmem:s15+$0x480];
	_ =	sdelay $0x1  }
0xae: {  	[tilespmem:$0x1FEA0] =	vst v18;
	v18 =	vmul.f32 v19, v51;
	v6 =	vadd.f32 v57, v6  }
0xaf: {  	[tilespmem:$0x1FE70] =	vst v34;
	v10 =	vadd.f32 v10, v0;
	v0 =	vld [tilespmem:s16+$0x0]  }
0xb0: {  	[tilespmem:$0x1FE20] =	vst v12;
	v34 =	vadd.f32 v6, v18;
	v6 =	vld [tilespmem:s16+$0x900]  }
0xb1: {  	v12 =	vmul.f32 $-2.000000000e+00, v27;
	[tilespmem:$0x1FE90] =	vst v17;
	v17 =	vmul.f32 v7, v56;
	_ =	sdelay $0x1  }
0xb2: {  	[tilespmem:$0x1FE50] =	vst v30;
	v7 =	vmul.f32 v7, v12;
	v30 =	vadd.f32 v4, v17;
	v17 =	vmul.f32 v52, v58  }
0xb3: {  	[tilespmem:$0x1FED0] =	vst v0;
	v0 =	vld [tilespmem:s16+$0x480]  }
0xb4: {  	[tilespmem:$0x1FF10] =	vst v6;
	v6 =	vadd.f32 v4, v7;
	v7 =	vadd.f32 v10, v17;
	v10 =	vld [tilespmem:s17+$0x480]  }
0xb5: {  	[tilespmem:$0x1FEC0] =	vst v31;
	v4 =	vld [tilespmem:s17+$0x0]  }
0xb6: {  	v54 =	vmul.f32 $-2.000000000e+00, v26;
	[tilespmem:$0x1FEF0] =	vst v24  }
0xb7: {  	v53 =	vmul.f32 $-2.000000000e+00, v31;
	[tilespmem:$0x1FF00] =	vst v20;
	v55 =	vmul.f32 $-2.000000000e+00, v20  }
0xb8: {  	v20 =	vmul.f32 v11, v33;
	[tilespmem:$0x1FEE0] =	vst v0;
	v0 =	vmul.f32 $-2.000000000e+00, v24  }
0xb9: {  	v18 =	vmul.f32 v11, v54;
	v24 =	vmul.f32 v11, v53;
	[tilespmem:$0x1FF40] =	vst v10;
	v10 =	vld [tilespmem:s17+$0x900]  }
0xba: {  	[tilespmem:$0x1FF20] =	vst v4;
	v4 =	vmul.f32 v11, v55;
	v31 =	vmul.f32 v11, v0;
	v11 =	vld [tilespmem:s18+$0x480];
	_ =	sdelay $0x2  }
0xbb: {  	[tilespmem:$0x1FF70] =	vst v32  }
0xbc: {  	[tilespmem:$0x1FF50] =	vst v10;
	v10 =	vld [tilespmem:s18+$0x0]  }
0xbd: {  	[tilespmem:$0x1FF90] =	vst v11;
	v11 =	vld [tilespmem:s18+$0x900]  }
0xbe: {  	[tilespmem:$0x1FD40] =	vst v28  }
0xbf: {  	[tilespmem:$0x1FD60] =	vst v25;
	v25 =	vmul.f32 v19, v32;
	v28 =	vmul.f32 v19, v63  }
0xc0: {  	[tilespmem:$0x1FE30] =	vst v27;
	v43 =	vmul.f32 v14, v35;
	v32 =	vmul.f32 v19, v13  }
0xc1: {  	v27 =	vmul.f32 v19, v37;
	v19 =	vmul.f32 v14, v12;
	[tilespmem:$0x1FF80] =	vst v10  }
0xc2: {  	v10 =	vmul.f32 v14, v5;
	[tilespmem:$0x1FFA0] =	vst v11;
	v11 =	vmul.f32 v14, v36;
	v14 =	vld [tilespmem:s4+$0x80];
	_ =	sdelay $0x4  }
0xc3: {  	[tilespmem:$0x1FFD0] =	vst v14;
	v14 =	vld [tilespmem:s19+$0x480];
	_ =	sdelay $0x3  }
0xc4: {  	[tilespmem:$0x1FF30] =	vst v33  }
0xc5: {  	[tilespmem:$0x1FFE0] =	vst v14;
	v14 =	vld [tilespmem:s19+$0x900]  }
0xc6: {  	v59 =	vimm.f32 $+Inf;
	[tilespmem:$0x1FFC0] =	vst v35  }
0xc7: {  	v49 =	vimm.f32 $+Inf;
	[tilespmem:$0x1FFB0] =	vst v36;
	v45 =	vadd.f32 v57, v19;
	v17 =	vimm.f32 $+Inf  }
0xc8: {  	[tilespmem:$0x1FEB0] =	vst v26;
	v19 =	vmul.f32 v52, v61;
	v8 =	vmin.f32 v17, v8;
	v26 =	vmin.f32 v17, v22  }
0xc9: {  	[tilespmem:$0x1FF60] =	vst v37;
	v33 =	vmin.f32 v17, v23;
	v23 =	vmul.f32 v52, v3;
	v22 =	vimm.f32 $+Inf  }
0xca: {  	s28 =	simm.s32 $0x13;
	v44 =	vmul.f32 v52, v0;
	v10 =	vadd.f32 v57, v10;
	[tilespmem:$0x1FFF0] =	vst v14;
	v14 =	vimm.f32 $+Inf  }
.LBB2_4:
0xcb: {  	s24 =	sadd.s32 $0xFFFFFFFF, s28;
	v46 =	vmov s28;
	v15 =	vadd.f32 v30, v15;
	v11 =	vadd.f32 v57, v11  }
0xcc: {  	v31 =	vadd.f32 v34, v31;
	v39 =	vmov s24;
	v43 =	vadd.f32 v57, v43  }
0xcd: {  	v32 =	vadd.f32 v45, v32;
	v7 =	vmin.f32 v33, v7;
	v10 =	vadd.f32 v10, v28  }
0xce: {  	v40 =	vld [tilespmem:$0x1FFC0];
	v21 =	vadd.f32 v21, v23;
	v23 =	vmul.f32 v52, v55;
	v34 =	vand.u32 $0xFFFFFFFE, v39  }
0xcf: {  	v11 =	vadd.f32 v11, v27;
	v27 =	vadd.f32 v29, v44;
	v17 =	vmin.f32 v17, v31;
	v31 =	vld [tilespmem:$0x1FE70]  }
0xd0: {  	v29 =	vbroadcast v34, $0x0;
	v24 =	vadd.f32 v32, v24;
	v25 =	vadd.f32 v43, v25;
	v30 =	vld.idx.msk [tilespmem:v46+s0+$0x0], $0xffff  }
0xd1: {  	v17 =	vmin.f32 v17, v27;
	v27 =	vmul.f32 v52, v54;
	v33 =	vld.idx.msk [tilespmem:v46+s2+$0x0], $0xffff;
	v11 =	vadd.f32 v11, v18  }
0xd2: {  	v18 =	vmin.f32 v22, v24;
	v22 =	vmul.f32 v52, v53;
	v52 =	vld.idx.msk [tilespmem:v46+s1+$0x0], $0xffff;
	v20 =	vadd.f32 v25, v20  }
0xd3: {  	v25 =	vld [tilespmem:$0x1FF70]  }
0xd4: {  	v4 =	vadd.f32 v10, v4;
	v10 =	vmin.f32 v59, v20;
	v20 =	vld [tilespmem:$0x1FF30]  }
0xd5: {  	v6 =	vadd.f32 v6, v16;
	v2 =	vadd.f32 v2, v27;
	v27 =	vld [tilespmem:$0x1FF60]  }
0xd6: {  	v16 =	vadd.f32 v15, v19;
	v9 =	vadd.f32 v9, v23;
	v4 =	vmin.f32 v49, v4;
	v32 =	vld.idx.msk [tilespmem:v29+s1+$0x0], $0xffff  }
0xd7: {  	v11 =	vmin.f32 v14, v11;
	v6 =	vadd.f32 v6, v22;
	v34 =	vld.idx.msk [tilespmem:v29+s2+$0x0], $0xffff;
	v15 =	vmul.f32 v30, v60  }
0xd8: {  	v57 =	vld.idx.msk [tilespmem:v29+s23+$0x0], $0xffff;
	v14 =	vmin.f32 v11, v2;
	v19 =	vmul.f32 v30, v63;
	v2 =	vmul.f32 v33, v40  }
0xd9: {  	v49 =	vmin.f32 v4, v9;
	v11 =	vld.idx.msk [tilespmem:v29+s0+$0x0], $0xffff;
	v43 =	vmul.f32 v30, v42;
	v29 =	vmul.f32 v30, v51  }
0xda: {  	v44 =	vld.idx.msk [tilespmem:v46+s23+$0x0], $0xffff;
	v22 =	vmin.f32 v18, v6;
	v6 =	vmul.f32 v33, v5;
	v9 =	vmul.f32 v30, v25  }
0xdb: {  	v45 =	vmul.f32 v30, v1;
	v23 =	vmul.f32 v52, v3  }
0xdc: {  	v26 =	vmin.f32 v26, v21;
	v37 =	vmul.f32 v52, v58;
	v21 =	vmul.f32 v52, v20  }
0xdd: {  	v59 =	vmin.f32 v10, v50;
	v10 =	vmul.f32 v30, v27;
	v18 =	vmul.f32 v32, v54  }
0xde: {  	v8 =	vmin.f32 v8, v16;
	v4 =	vmul.f32 v34, v47;
	v16 =	vmul.f32 v34, v56  }
0xdf: {  	v41 =	vld [tilespmem:$0x1FFB0];
	v2 =	vadd.f32 v44, v2;
	v46 =	vmul.f32 v34, v31;
	v35 =	vmul.f32 v11, v1  }
0xe0: {  	v6 =	vadd.f32 v44, v6;
	v36 =	vmul.f32 v11, v42;
	v24 =	vmul.f32 v32, v53  }
0xe1: {  	v2 =	vadd.f32 v2, v9;
	v27 =	vmul.f32 v11, v27;
	v20 =	vmul.f32 v32, v20  }
0xe2: {  	v25 =	vmul.f32 v11, v25;
	v9 =	vadd.f32 v6, v19;
	v6 =	vmul.f32 v11, v60  }
0xe3: {  	v19 =	vmul.f32 v33, v62;
	v38 =	vmul.f32 v32, v3  }
0xe4: {  	v48 =	vadd.f32 v57, v4;
	v4 =	vmul.f32 v33, v41;
	v28 =	vadd.f32 v57, v16  }
0xe5: {  	v50 =	vadd.f32 v2, v21;
	v2 =	vmul.f32 v33, v31;
	v16 =	vmul.f32 v30, v13  }
0xe6: {  	v31 =	vmul.f32 v32, v0;
	v19 =	vadd.f32 v44, v19;
	v30 =	vmul.f32 v34, v62  }
0xe7: {  	v21 =	vmul.f32 v32, v61;
	v4 =	vadd.f32 v44, v4;
	v6 =	vadd.f32 v28, v6  }
0xe8: {  	v39 =	vadd.f32 v44, v2;
	v28 =	vmul.f32 v11, v63;
	v30 =	vadd.f32 v57, v30  }
0xe9: {  	v2 =	vadd.f32 v4, v10;
	v10 =	vmul.f32 v33, v47;
	v6 =	vadd.f32 v6, v21  }
0xea: {  	v21 =	vadd.f32 v19, v45;
	v4 =	vmul.f32 v32, v55;
	v19 =	vmul.f32 v52, v61  }
0xeb: {  	v45 =	vadd.f32 v57, v46;
	v8 =	vmin.f32 v8, v6;
	v6 =	vmul.f32 v33, v56  }
0xec: {  	v46 =	vmul.f32 v32, v58;
	v35 =	vadd.f32 v30, v35;
	v10 =	vadd.f32 v44, v10  }
0xed: {  	v32 =	vmul.f32 v11, v13;
	v36 =	vadd.f32 v45, v36;
	v30 =	vadd.f32 v44, v6  }
0xee: {  	p0 =	sne.s32 s28, $0x40F;
	v45 =	vmul.f32 v34, v12;
	v6 =	vadd.f32 v35, v38;
	v29 =	vadd.f32 v10, v29  }
.Ltmp1:
0xef: {  	v10 =	vadd.f32 v36, v46;
	v35 =	vmul.f32 v11, v51;
	v46 =	vmul.f32 v34, v5;
	(pc) =	sbr.rel @p0 .LBB2_4-.Ltmp1, $4  }
0xf0: {  	v11 =	vmul.f32 v34, v41;
	v45 =	vadd.f32 v57, v45;
	v26 =	vmin.f32 v26, v6  }
0xf1: {  	v6 =	vmul.f32 v33, v12;
	v33 =	vmin.f32 v7, v10;
	v7 =	vadd.f32 v39, v43  }
0xf2: {  	v10 =	vadd.f32 v57, v46;
	v43 =	vmul.f32 v34, v40;
	v34 =	vadd.f32 v48, v35  }
0xf3: {  	s28 =	sadd.s32 $0x2, s28;
	v6 =	vadd.f32 v44, v6;
	v7 =	vadd.f32 v7, v37;
	v44 =	vmul.f32 v52, v0  }
0xf4: {  	v35 =	vld [tilespmem:$0x1FCA0]  }
0xf5: {  	v0 =	vld [tilespmem:$0x1FDB0]  }
0xf6: {  	v37 =	vld [tilespmem:$0x1FCB0]  }
0xf7: {  	v1 =	vld [tilespmem:$0x1FDC0]  }
0xf8: {  	v38 =	vld [tilespmem:$0x1FCC0]  }
0xf9: {  	v3 =	vadd.f32 v34, v31;
	v5 =	vadd.f32 v57, v11;
	v31 =	vld [tilespmem:$0x1FDD0]  }
0xfa: {  	v39 =	vld [tilespmem:$0x1FDE0]  }
0xfb: {  	v27 =	vadd.f32 v5, v27;
	v5 =	vmin.f32 v33, v7;
	v33 =	vld [tilespmem:$0x1FCD0]  }
0xfc: {  	v0 =	vsub.f32 v35, v0;
	v1 =	vsub.f32 v37, v1  }
0xfd: {  	v12 =	vadd.f32 v57, v43;
	v40 =	vld [tilespmem:$0x1FDF0]  }
0xfe: {  	v13 =	vadd.f32 v45, v32;
	v41 =	vld [tilespmem:$0x1FE00];
	v0 =	vmul.f32 v0, v0;
	v1 =	vmul.f32 v1, v1  }
0xff: {  	v10 =	vadd.f32 v10, v28;
	v48 =	vld [tilespmem:$0x1FE20];
	v11 =	vsub.f32 v38, v31  }
0x100: {  	v0 =	vadd.f32 v1, v0;
	v1 =	vsub.f32 v33, v39;
	v39 =	vld [tilespmem:$0x1FCE0]  }
0x101: {  	v45 =	vmul.f32 v52, v54;
	v36 =	vadd.f32 v29, v44;
	v29 =	vld [tilespmem:$0x1FEB0];
	v34 =	vmul.f32 v11, v11  }
0x102: {  	v21 =	vadd.f32 v21, v23;
	v47 =	vmul.f32 v52, v55;
	v51 =	vld [tilespmem:$0x1FE40];
	v6 =	vadd.f32 v6, v16  }
0x103: {  	v57 =	vld [tilespmem:$0x1FE60];
	v3 =	vmin.f32 v17, v3;
	v13 =	vadd.f32 v13, v24;
	v0 =	vadd.f32 v0, v34  }
0x104: {  	v28 =	vld [tilespmem:$0x1FE30];
	v12 =	vadd.f32 v12, v25;
	v2 =	vadd.f32 v2, v45;
	v36 =	vmin.f32 v3, v36  }
0x105: {  	v61 =	vld [tilespmem:$0x1FE80];
	v3 =	vadd.f32 v30, v15;
	v0 =	vmax.f32 v0, $9.999999960e-13;
	v7 =	vsub.f32 v39, v40  }
0x106: {  	v30 =	vld [tilespmem:$0x1FE10];
	v11 =	vsub.f32 v29, v41;
	v42 =	vshrl.u32 v0, $0x1;
	v17 =	vmul.f32 $5.000000000e-01, v0  }
0x107: {  	v41 =	vld [tilespmem:$0x1FD00];
	v1 =	vmul.f32 v1, v1;
	v15 =	vsub.s32 $0x5F3759DF, v42;
	v7 =	vmul.f32 v7, v7  }
0x108: {  	v4 =	vadd.f32 v10, v4;
	v9 =	vadd.f32 v9, v47;
	v40 =	vld [tilespmem:$0x1FCF0];
	v44 =	vmul.f32 v15, v17  }
0x109: {  	v18 =	vadd.f32 v27, v18;
	v43 =	vmul.f32 v11, v11;
	v1 =	vadd.f32 v7, v1  }
0x10a: {  	v62 =	vld [tilespmem:$0x1FE90];
	v12 =	vadd.f32 v12, v20;
	v25 =	vsub.f32 v28, v61;
	v46 =	vmul.f32 v15, v44  }
0x10b: {  	v22 =	vmin.f32 v22, v13;
	v16 =	vsub.f32 v30, v57;
	v42 =	vld [tilespmem:$0x1FE50];
	v1 =	vadd.f32 v1, v43  }
0x10c: {  	v31 =	vmul.f32 v25, v25;
	v24 =	vsub.f32 v41, v51;
	v44 =	vld [tilespmem:$0x1FEA0];
	v7 =	vsub.f32 $1.500000000e+00, v46  }
0x10d: {  	v11 =	vmul.f32 v52, v53;
	v43 =	vld [tilespmem:$0x1FEC0];
	v23 =	vmax.f32 v1, $9.999999960e-13;
	v1 =	vsub.f32 v40, v48  }
0x10e: {  	v55 =	vmul.f32 v24, v24;
	v7 =	vmul.f32 v15, v7;
	v52 =	vshrl.u32 v23, $0x1  }
0x10f: {  	v27 =	vmul.f32 $5.000000000e-01, v23;
	v53 =	vsub.s32 $0x5F3759DF, v52;
	v54 =	vmul.f32 v1, v1  }
0x110: {  	v1 =	vmin.f32 v26, v21;
	v60 =	vmul.f32 v7, v17;
	v26 =	vsub.f32 v42, v62  }
0x111: {  	v16 =	vmul.f32 v16, v16;
	v56 =	vmul.f32 v53, v27;
	v20 =	vadd.f32 v55, v54  }
0x112: {  	v15 =	vsub.f32 v43, v44;
	v63 =	vmul.f32 v60, v7;
	v32 =	vmul.f32 v26, v26  }
0x113: {  	v14 =	vmin.f32 v14, v18;
	v58 =	vmul.f32 v53, v56;
	v16 =	vadd.f32 v20, v16  }
0x114: {  	v15 =	vmul.f32 v15, v15;
	v20 =	vadd.f32 v32, v31;
	v18 =	vsub.f32 $1.500000000e+00, v63  }
0x115: {  	v12 =	vmin.f32 v59, v12;
	v30 =	vmul.f32 v30, v30;
	v21 =	vsub.f32 $1.500000000e+00, v58  }
0x116: {  	v16 =	vmax.f32 v16, $9.999999960e-13;
	v7 =	vmul.f32 v18, v7;
	v15 =	vadd.f32 v20, v15  }
0x117: {  	v61 =	vld [tilespmem:$0x1FF10];
	v34 =	vmul.f32 v53, v21;
	v45 =	vshrl.u32 v16, $0x1;
	v24 =	vmul.f32 $5.000000000e-01, v16  }
0x118: {  	v59 =	vld [tilespmem:$0x1FED0];
	v6 =	vadd.f32 v6, v11;
	v21 =	vsub.s32 $0x5F3759DF, v45;
	v51 =	vmul.f32 v7, v17  }
0x119: {  	v60 =	vld [tilespmem:$0x1FEE0];
	v18 =	vmax.f32 v15, $9.999999960e-13;
	v46 =	vmul.f32 v34, v27;
	v47 =	vmul.f32 v21, v24  }
0x11a: {  	v31 =	vld [tilespmem:$0x1FD10];
	v15 =	vshrl.u32 v18, $0x1;
	v20 =	vmul.f32 $5.000000000e-01, v18;
	v53 =	vmul.f32 v51, v7  }
0x11b: {  	v32 =	vld [tilespmem:$0x1FD20];
	v15 =	vsub.s32 $0x5F3759DF, v15;
	v48 =	vmul.f32 v46, v34;
	v52 =	vmul.f32 v21, v47  }
0x11c: {  	v44 =	vmul.f32 v35, v35;
	v55 =	vmul.f32 v15, v20;
	v46 =	vld [tilespmem:$0x1FEF0];
	v57 =	vsub.f32 $1.500000000e+00, v53  }
0x11d: {  	v45 =	vmul.f32 v37, v37;
	v11 =	vsub.f32 $1.500000000e+00, v48;
	v17 =	vsub.f32 $1.500000000e+00, v52  }
0x11e: {  	v4 =	vmin.f32 v49, v4;
	v10 =	vmul.f32 v15, v55;
	v7 =	vmul.f32 v57, v7  }
0x11f: {  	v19 =	vadd.f32 v3, v19;
	v35 =	vld [tilespmem:$0x1FD40];
	v54 =	vmul.f32 v11, v34;
	v56 =	vmul.f32 v21, v17  }
0x120: {  	v52 =	vld [tilespmem:$0x1FF40];
	v11 =	vsub.f32 v31, v59;
	v17 =	vsub.f32 v32, v60;
	v0 =	vmul.f32 v7, v0  }
0x121: {  	v25 =	vsub.f32 v46, v61;
	v61 =	vmul.f32 v38, v38;
	v46 =	vmul.f32 v46, v46  }
0x122: {  	v10 =	vsub.f32 $1.500000000e+00, v10;
	v58 =	vmul.f32 v54, v27;
	v21 =	vmul.f32 v56, v24  }
0x123: {  	v13 =	vmin.f32 v14, v2;
	v11 =	vmul.f32 v11, v11;
	v17 =	vmul.f32 v17, v17  }
0x124: {  	v62 =	vmul.f32 v15, v10;
	v15 =	vmin.f32 v22, v6;
	v27 =	vmul.f32 v25, v25  }
0x125: {  	v53 =	vsub.f32 v35, v52;
	v14 =	vmul.f32 v58, v54;
	v26 =	vmul.f32 v21, v56  }
0x126: {  	v11 =	vadd.f32 v17, v11;
	v17 =	vmin.f32 v12, v50;
	v34 =	vmul.f32 v62, v20  }
0x127: {  	v25 =	vmul.f32 v53, v53;
	v63 =	vsub.f32 $1.500000000e+00, v14;
	v14 =	vsub.f32 $1.500000000e+00, v26  }
0x128: {  	v50 =	vld [tilespmem:$0x1FF20];
	v11 =	vadd.f32 v11, v27;
	v10 =	vmul.f32 v34, v62;
	v27 =	vmul.f32 v28, v28  }
0x129: {  	v6 =	vadd.f32 v45, v44;
	v34 =	vld [tilespmem:$0x1FD30];
	v3 =	vmul.f32 v63, v54;
	v2 =	vmul.f32 v14, v56  }
0x12a: {  	v37 =	vld [tilespmem:$0x1FD50];
	v14 =	vmax.f32 v11, $9.999999960e-13;
	v47 =	vsub.f32 $1.500000000e+00, v10;
	v10 =	vmin.f32 v4, v9  }
0x12b: {  	v56 =	vld [tilespmem:$0x1FF50];
	v11 =	vmin.f32 v8, v19;
	v19 =	vadd.f32 v6, v61;
	v63 =	vmul.f32 v39, v39  }
0x12c: {  	v48 =	vshrl.u32 v14, $0x1;
	v21 =	vmul.f32 $5.000000000e-01, v14;
	v3 =	vmul.f32 v3, v23  }
0x12d: {  	v45 =	vld [tilespmem:$0x1FF80];
	v49 =	vsub.s32 $0x5F3759DF, v48;
	v54 =	vmul.f32 v47, v62;
	v57 =	vmul.f32 v2, v24  }
0x12e: {  	v39 =	vld [tilespmem:$0x1FD60];
	v62 =	vmul.f32 v33, v33;
	v51 =	vsub.f32 v34, v50;
	v55 =	vmul.f32 v49, v21  }
0x12f: {  	v17 =	vadd.f32 v17, v19;
	v58 =	vmul.f32 v54, v20;
	v8 =	vmul.f32 v57, v2  }
0x130: {  	v50 =	vld [tilespmem:$0x1FFA0];
	v9 =	vsub.f32 v37, v56;
	v23 =	vmul.f32 v51, v51;
	v7 =	vmul.f32 v49, v55  }
0x131: {  	v55 =	vmul.f32 v40, v40;
	v40 =	vld [tilespmem:$0x1FDA0];
	v60 =	vmul.f32 v58, v54;
	v8 =	vsub.f32 $1.500000000e+00, v8  }
0x132: {  	v56 =	vmul.f32 v41, v41;
	v58 =	vld [tilespmem:$0x1FFD0];
	v59 =	vadd.f32 v25, v23;
	v7 =	vsub.f32 $1.500000000e+00, v7  }
0x133: {  	v9 =	vmul.f32 v9, v9;
	v23 =	vsub.f32 v39, v45;
	v45 =	vld [tilespmem:$0x1FD90];
	v12 =	vsub.f32 $1.500000000e+00, v60  }
0x134: {  	v20 =	vadd.f32 v63, v62;
	v8 =	vmul.f32 v8, v2;
	v7 =	vmul.f32 v49, v7  }
0x135: {  	v9 =	vadd.f32 v59, v9;
	v23 =	vmul.f32 v23, v23;
	v4 =	vmul.f32 v12, v54  }
0x136: {  	v38 =	vld [tilespmem:$0x1FD70];
	v17 =	vmax.f32 v17, $9.999999960e-13;
	v8 =	vmul.f32 v8, v16;
	v54 =	vmul.f32 v29, v29  }
0x137: {  	v60 =	vld [tilespmem:$0x1FFE0];
	v2 =	vmax.f32 v9, $9.999999960e-13;
	v33 =	vmul.f32 v7, v21;
	v59 =	vsub.f32 v40, v58  }
0x138: {  	v44 =	vshrl.u32 v2, $0x1;
	v22 =	vmul.f32 $5.000000000e-01, v2;
	v25 =	vsub.f32 v45, v50  }
0x139: {  	v41 =	vld [tilespmem:$0x1FF00];
	v6 =	vmul.f32 v4, v18;
	v16 =	vadd.f32 v20, v54;
	v18 =	vadd.f32 v56, v55  }
0x13a: {  	v29 =	vld [tilespmem:$0x1FFF0];
	v54 =	vmul.f32 v31, v31;
	v55 =	vmul.f32 v32, v32;
	v56 =	vshrl.u32 v17, $0x1  }
0x13b: {  	v31 =	vmul.f32 $5.000000000e-01, v17;
	v12 =	vsub.s32 $0x5F3759DF, v44;
	v48 =	vmul.f32 v33, v7  }
0x13c: {  	v47 =	vld [tilespmem:$0x1FF90];
	v61 =	vsub.f32 v38, v60;
	v58 =	vsub.s32 $0x5F3759DF, v56;
	v49 =	vmul.f32 v12, v22  }
0x13d: {  	v44 =	vld [tilespmem:$0x1FD80];
	v53 =	vmul.f32 v25, v25;
	v18 =	vadd.f32 v18, v30;
	v16 =	vadd.f32 v13, v16  }
0x13e: {  	v60 =	vmul.f32 v58, v31;
	v19 =	vadd.f32 v55, v54;
	v55 =	vmul.f32 v45, v45  }
0x13f: {  	v51 =	vsub.f32 $1.500000000e+00, v48;
	v26 =	vsub.f32 v41, v29;
	v48 =	vmul.f32 v42, v42  }
0x140: {  	v9 =	vmul.f32 v12, v49;
	v16 =	vmax.f32 v16, $9.999999960e-13;
	v18 =	vadd.f32 v5, v18  }
0x141: {  	v19 =	vadd.f32 v19, v46;
	v7 =	vmul.f32 v51, v7;
	v26 =	vmul.f32 v26, v26  }
0x142: {  	v32 =	vmul.f32 $5.000000000e-01, v16;
	v24 =	vsub.f32 v44, v47;
	v9 =	vsub.f32 $1.500000000e+00, v9  }
0x143: {  	v54 =	vmul.f32 v44, v44;
	v19 =	vadd.f32 v36, v19;
	v57 =	vmul.f32 v7, v21  }
0x144: {  	v18 =	vmax.f32 v18, $9.999999960e-13;
	v24 =	vmul.f32 v24, v24;
	v12 =	vmul.f32 v12, v9  }
0x145: {  	v21 =	vmul.f32 v59, v59;
	v30 =	vmul.f32 $5.000000000e-01, v18;
	v19 =	vmax.f32 v19, $9.999999960e-13  }
0x146: {  	v20 =	vmul.f32 v57, v7;
	v52 =	vadd.f32 v24, v23;
	v62 =	vmul.f32 v12, v22  }
0x147: {  	v46 =	vmul.f32 $5.000000000e-01, v19;
	v24 =	vmul.f32 v61, v61  }
0x148: {  	v20 =	vsub.f32 $1.500000000e+00, v20;
	v4 =	vadd.f32 v52, v53;
	v23 =	vmul.f32 v62, v12  }
0x149: {  	v61 =	vshrl.u32 v16, $0x1;
	v21 =	vadd.f32 v24, v21;
	v62 =	vmul.f32 v58, v60  }
0x14a: {  	v20 =	vmul.f32 v20, v7;
	v4 =	vmax.f32 v4, $9.999999960e-13;
	v23 =	vsub.f32 $1.500000000e+00, v23  }
0x14b: {  	v47 =	vadd.f32 v21, v26;
	v26 =	vmul.f32 v43, v43;
	v21 =	vadd.f32 v48, v27  }
0x14c: {  	v48 =	vmul.f32 v34, v34;
	v9 =	vmul.f32 $5.000000000e-01, v4;
	v63 =	vshrl.u32 v4, $0x1  }
0x14d: {  	v14 =	vmul.f32 v20, v14;
	v25 =	vsub.s32 $0x5F3759DF, v63;
	v23 =	vmul.f32 v23, v12  }
0x14e: {  	v7 =	vmax.f32 v47, $9.999999960e-13;
	v63 =	vsub.s32 $0x5F3759DF, v61;
	v21 =	vadd.f32 v21, v26  }
0x14f: {  	v33 =	vmul.f32 v25, v9;
	v49 =	vshrl.u32 v7, $0x1;
	v12 =	vmul.f32 $5.000000000e-01, v7  }
0x150: {  	v42 =	vmul.f32 v63, v32;
	v22 =	vmul.f32 v23, v22;
	v51 =	vsub.s32 $0x5F3759DF, v49  }
0x151: {  	v21 =	vadd.f32 v15, v21;
	v24 =	vmul.f32 v25, v33;
	v53 =	vmul.f32 v51, v12  }
0x152: {  	v43 =	vshrl.u32 v18, $0x1;
	v49 =	vmul.f32 v35, v35;
	v50 =	vmul.f32 v22, v23  }
0x153: {  	v21 =	vmax.f32 v21, $9.999999960e-13;
	v24 =	vsub.f32 $1.500000000e+00, v24;
	v28 =	vmul.f32 v51, v53  }
0x154: {  	v53 =	vmul.f32 v39, v39;
	v34 =	vmul.f32 $5.000000000e-01, v21;
	v20 =	vsub.f32 $1.500000000e+00, v50  }
0x155: {  	v24 =	vmul.f32 v25, v24;
	v59 =	vsub.f32 $1.500000000e+00, v28;
	v28 =	vsub.s32 $0x5F3759DF, v43  }
0x156: {  	v13 =	vmul.f32 v20, v23;
	v20 =	vsub.f32 $1.500000000e+00, v62;
	v47 =	vmul.f32 v28, v30  }
0x157: {  	v0 =	vadd.f32 $0.0e+00, v0;
	v52 =	vmul.f32 v24, v9;
	v22 =	vmul.f32 v51, v59  }
0x158: {  	v27 =	vadd.f32 v49, v48;
	v20 =	vmul.f32 v58, v20;
	v23 =	vmul.f32 v28, v47  }
0x159: {  	v33 =	vadd.f32 v54, v53;
	v2 =	vmul.f32 v13, v2;
	v25 =	vmul.f32 v52, v24  }
0x15a: {  	v50 =	vmul.f32 v22, v12;
	v52 =	vmul.f32 v37, v37;
	v23 =	vsub.f32 $1.500000000e+00, v23  }
0x15b: {  	v51 =	vmul.f32 v20, v31;
	v57 =	vsub.f32 $1.500000000e+00, v25;
	v25 =	vmul.f32 v63, v42  }
0x15c: {  	v26 =	vmul.f32 v50, v22;
	v27 =	vadd.f32 v27, v52;
	v23 =	vmul.f32 v28, v23  }
0x15d: {  	v42 =	vmul.f32 v41, v41;
	v28 =	vadd.f32 v33, v55;
	v25 =	vsub.f32 $1.500000000e+00, v25  }
0x15e: {  	v5 =	vmul.f32 v57, v24;
	v26 =	vsub.f32 $1.500000000e+00, v26;
	v57 =	vmul.f32 v23, v30  }
0x15f: {  	v11 =	vadd.f32 v11, v27;
	v24 =	vmul.f32 v63, v25;
	v25 =	vmul.f32 v51, v20  }
0x160: {  	v1 =	vadd.f32 v1, v28;
	v15 =	vmul.f32 v26, v22;
	v63 =	vmul.f32 v40, v40  }
0x161: {  	v40 =	vmul.f32 v38, v38;
	v11 =	vmax.f32 v11, $9.999999960e-13;
	v9 =	vmul.f32 v5, v9  }
0x162: {  	v59 =	vmul.f32 v57, v23;
	v25 =	vsub.f32 $1.500000000e+00, v25;
	v56 =	vmul.f32 v24, v32  }
0x163: {  	v61 =	vshrl.u32 v21, $0x1;
	v57 =	vmul.f32 $5.000000000e-01, v11;
	v9 =	vmul.f32 v9, v5  }
0x164: {  	v1 =	vmax.f32 v1, $9.999999960e-13;
	v20 =	vmul.f32 v25, v20;
	v58 =	vmul.f32 v56, v24  }
0x165: {  	v12 =	vmul.f32 v15, v12;
	v25 =	vsub.f32 $1.500000000e+00, v59;
	v56 =	vshrl.u32 v11, $0x1  }
0x166: {  	v60 =	vmul.f32 v20, v31;
	v22 =	vsub.f32 $1.500000000e+00, v58;
	v31 =	vsub.s32 $0x5F3759DF, v61  }
0x167: {  	v23 =	vmul.f32 v25, v23;
	v58 =	vsub.s32 $0x5F3759DF, v56;
	v61 =	vmul.f32 $5.000000000e-01, v1  }
0x168: {  	v62 =	vmul.f32 v31, v34;
	v59 =	vmul.f32 v58, v57  }
0x169: {  	v0 =	vadd.f32 v3, v0;
	v26 =	vmul.f32 v60, v20;
	v22 =	vmul.f32 v22, v24  }
0x16a: {  	v45 =	vshrl.u32 v19, $0x1;
	v30 =	vmul.f32 v23, v30;
	v39 =	vmul.f32 v31, v62  }
0x16b: {  	v24 =	vadd.f32 v40, v63;
	v37 =	vsub.f32 $1.500000000e+00, v26;
	v32 =	vmul.f32 v22, v32  }
0x16c: {  	v60 =	vshrl.u32 v1, $0x1;
	v30 =	vmul.f32 v30, v23;
	v43 =	vsub.f32 $1.500000000e+00, v39  }
0x16d: {  	v24 =	vadd.f32 v24, v42;
	v20 =	vmul.f32 v37, v20;
	v44 =	vmul.f32 v32, v22  }
0x16e: {  	v50 =	vsub.f32 $1.500000000e+00, v30;
	v25 =	vmul.f32 v31, v43;
	v31 =	vsub.s32 $0x5F3759DF, v45  }
0x16f: {  	v10 =	vadd.f32 v10, v24;
	v24 =	vmul.f32 v58, v59;
	v48 =	vmul.f32 v31, v46  }
0x170: {  	v26 =	vsub.f32 $1.500000000e+00, v44;
	v17 =	vmul.f32 v20, v17;
	v53 =	vmul.f32 v50, v23  }
0x171: {  	v10 =	vmax.f32 v10, $9.999999960e-13;
	v24 =	vsub.f32 $1.500000000e+00, v24;
	v47 =	vmul.f32 v25, v34  }
0x172: {  	v62 =	vshrl.u32 v10, $0x1;
	v63 =	vmul.f32 $5.000000000e-01, v10;
	v52 =	vmul.f32 v31, v48  }
0x173: {  	v49 =	vmul.f32 v26, v22;
	v26 =	vsub.s32 $0x5F3759DF, v60;
	v51 =	vmul.f32 v47, v25  }
0x174: {  	v29 =	vsub.s32 $0x5F3759DF, v62;
	v36 =	vmul.f32 v26, v61;
	v55 =	vsub.f32 $1.500000000e+00, v52  }
0x175: {  	v39 =	vmul.f32 v58, v24;
	v38 =	vmul.f32 v29, v63;
	v54 =	vsub.f32 $1.500000000e+00, v51  }
0x176: {  	v23 =	vmul.f32 v31, v55;
	v31 =	vmul.f32 v26, v36  }
0x177: {  	v0 =	vadd.f32 v8, v0;
	v35 =	vmul.f32 v29, v38;
	v22 =	vmul.f32 v54, v25  }
0x178: {  	v18 =	vmul.f32 v53, v18;
	v37 =	vmul.f32 v23, v46;
	v40 =	vsub.f32 $1.500000000e+00, v31  }
0x179: {  	v44 =	vmul.f32 v39, v57;
	v43 =	vsub.f32 $1.500000000e+00, v35;
	v34 =	vmul.f32 v22, v34  }
0x17a: {  	v33 =	vmul.f32 v37, v23;
	v24 =	vmul.f32 v26, v40  }
0x17b: {  	v0 =	vadd.f32 v6, v0;
	v29 =	vmul.f32 v29, v43;
	v26 =	vmul.f32 v44, v39  }
0x17c: {  	v16 =	vmul.f32 v49, v16;
	v42 =	vsub.f32 $1.500000000e+00, v33;
	v45 =	vmul.f32 v24, v61  }
0x17d: {  	v41 =	vmul.f32 v34, v22;
	v47 =	vmul.f32 v29, v63;
	v48 =	vsub.f32 $1.500000000e+00, v26  }
0x17e: {  	v23 =	vmul.f32 v42, v23;
	v49 =	vmul.f32 v45, v24  }
0x17f: {  	v0 =	vadd.f32 v14, v0;
	v50 =	vmul.f32 v47, v29;
	v20 =	vmul.f32 v48, v39  }
0x180: {  	v17 =	vadd.f32 $0.0e+00, v17;
	v46 =	vmul.f32 v23, v46;
	v51 =	vsub.f32 $1.500000000e+00, v49  }
0x181: {  	v25 =	vsub.f32 $1.500000000e+00, v41;
	v8 =	vsub.f32 $1.500000000e+00, v50;
	v53 =	vmul.f32 v20, v57  }
0x182: {  	v9 =	vsub.f32 $1.500000000e+00, v9;
	v3 =	vmul.f32 v46, v23;
	v52 =	vmul.f32 v51, v24  }
0x183: {  	v16 =	vadd.f32 v16, v17;
	v22 =	vmul.f32 v25, v22;
	v8 =	vmul.f32 v8, v29  }
0x184: {  	v54 =	vmul.f32 v53, v20;
	v3 =	vsub.f32 $1.500000000e+00, v3;
	v55 =	vmul.f32 v52, v61  }
0x185: {  	v16 =	vadd.f32 v18, v16;
	v21 =	vmul.f32 v22, v21;
	v56 =	vmul.f32 v8, v63  }
0x186: {  	v14 =	vsub.f32 $1.500000000e+00, v54;
	v3 =	vmul.f32 v3, v23;
	v17 =	vmul.f32 v55, v52  }
0x187: {  	v12 =	vmul.f32 v12, v15;
	v16 =	vadd.f32 v21, v16;
	v18 =	vmul.f32 v56, v8  }
0x188: {  	v14 =	vmul.f32 v14, v20;
	v3 =	vmul.f32 v3, v19;
	v17 =	vsub.f32 $1.500000000e+00, v17  }
0x189: {  	v5 =	vmul.f32 v9, v5;
	v58 =	vsub.f32 $1.500000000e+00, v12;
	v57 =	vsub.f32 $1.500000000e+00, v18  }
0x18a: {  	v11 =	vmul.f32 v14, v11;
	v3 =	vadd.f32 v3, v16;
	v6 =	vmul.f32 v17, v52  }
0x18b: {  	v0 =	vadd.f32 v2, v0;
	v60 =	vmul.f32 v5, v4;
	v61 =	vmul.f32 v58, v15  }
0x18c: {  	v59 =	vmul.f32 v57, v8;
	v3 =	vadd.f32 v11, v3;
	v1 =	vmul.f32 v6, v1  }
0x18d: {  	v0 =	vadd.f32 v60, v0;
	v63 =	vmul.f32 v61, v7  }
0x18e: {  	v62 =	vmul.f32 v59, v10;
	v1 =	vadd.f32 v1, v3  }
0x18f: {  	v0 =	vadd.f32 v63, v0  }
0x190: {  	v1 =	vadd.f32 v62, v1  }
0x191: {  	[tilespmem:$0x1480] =	vst v0  }
0x192: {  	s24 =	simm.s32 $0x1400;
	[tilespmem:$0x1400] =	vst v1  }
0x193: {  	[hbm4b:s20+s2] =	stream.linear.scatter [tilespmem:s24], [sflag:$0x1], $0x10, $0x38;
	[tilespmem:$0x1500] =	vst v63  }
0x194: {  	s26 =	sadd.s32 $0x1, s26;
	_ =	swait.ge [sflag:s3], $0x10  }
0x195: {  	p0 =	sne.s32 s26, s22;
	[sflag:s3] =	ssyncset.done $0x0  }
.Ltmp2:
0x196: {  	[sflag:s3] =	ssyncadd.s32 $0xFFFFFFF0;
	(pc) =	sbr.rel @p0 .LBB2_1-.Ltmp2, $4  }
0x197: {  	[hbm4b:s21+s2] =	stream.linear.scatter [tilespmem:s25], [sflag:$0x1], $0x10, $0x38;
	[tilespmem:$0x1500] =	vst v63  }
0x198: {  	_ =	swait.ge [sflag:s3], $0x10  }
0x199: {  	[sflag:s3] =	ssyncset.done $0x0  }
0x19a: {  	[sflag:s3] =	ssyncadd.s32 $0xFFFFFFF0  }
0x19b: {  	_ =	sfence.sel $0x180000  }
0x19c: {  	[bflag:$0x0] =	sbarrier.arrive $0xFFFF  }
0x19d: {  	_ =	strace $0x90000047  }
0x19e: {  	s0 =	stileid.u32;
	[bflag:$0x2] =	sbarrier.arrive $0xFFFF  }
0x19f: {  	p0 =	sne.s32 s0, $0x0;
	s0 =	rddreg [dreg:$0x2]  }
0x1a0: {  	s0 =	sadd.s32 @!p0 $0x100000, s0  }
0x1a1: {  	[sflag:s0] =	ssyncadd.tile.s32 @!p0 $0x1;
	_ =	shalt  }
.Lfunc_end2:
_tile_overlayer_lowered:
.L_overlay_start_2:
0x1a2: {  	(tag) =	ssettag $0x2  }
0x1a3: {  	s0 =	rddreg [dreg:$0x0];
	s2 =	stileid.u32  }
0x1a4: {  	s1 =	rddreg [dreg:$0x1];
	p0 =	sne.s32 s2, $0x0  }
0x1a5: {  	s3 =	rddreg [dreg:$0x2];
	[bflag:$0x3] =	sbarrier.arrive $0xFFFF;
	s2 =	simm.s32 @!p0 $0x1C01  }
0x1a6: {  	[timem:s3], [sflag:s2] =	dma.local @!p0 [hbm:s0], s1  }
0x1a7: {  	s0 =	simm.s32 @!p0 $0x1  }
0x1a8: {  	_ =	swait.ge @!p0 [sflag:s0], s1  }
0x1a9: {  	s1 =	ssub.s32 @!p0 $0x0, s1;
	[sflag:s0] =	ssyncset.done @!p0 $0x0  }
0x1aa: {  	[sflag:s0] =	ssyncadd.s32 @!p0 s1  }
0x1ab: {  	[bflag:$0x3] =	sbarrier.arrive $0xFFFF  }
0x1ac: {  	_ =	shalt  }

</sc_bundles>
